<compile_context>
chip_gen: v7x
topology: tpu7x:2x2x1
jax: 0.10.2.dev20260603
libtpu: 0.0.44.dev20260713+nightly
codegen_flags: <defaults>
</compile_context>

<pallas_src>
import functools

import jax
import jax.numpy as jnp
from jax import lax
from jax.experimental import pallas as pl
from jax.experimental.pallas import tpu as pltpu
from jax.experimental.pallas import tpu_sc as plsc


def kernel(x, index, logits_mem):
    del x
    M, D = logits_mem.shape
    B = index.shape[0]

    info = plsc.get_sparse_core_info()
    NC, NS, L = info.num_cores, info.num_subcores, info.num_lanes
    NW = NC * NS
    assert B % NW == 0
    b_per_w = B // NW
    M0 = (M // 128) * 128
    NG = (D + L - 1) // L
    RB = 1008

    order = jnp.argsort(index)
    sorted_idx = jnp.take(index, order)
    tail_panel = jnp.pad(
        lax.slice(logits_mem, (M0, 0), (M, D)).T, ((0, 0), (0, 128 - (M - M0))))

    mesh = plsc.VectorSubcoreMesh(core_axis_name="c", subcore_axis_name="s")

    @functools.partial(
        pl.kernel,
        mesh=mesh,
        compiler_params=pltpu.CompilerParams(needs_layout_passes=False),
        out_type=jax.ShapeDtypeStruct((B * D,), jnp.float32),
        scratch_types=[
            pltpu.VMEM((b_per_w,), jnp.int32),
            pltpu.VMEM((b_per_w,), jnp.int32),
            pltpu.VMEM((D, 128), jnp.float32),
            pltpu.VMEM((2 * RB,), jnp.float32),
            pltpu.SemaphoreType.DMA,
            pltpu.SemaphoreType.DMA,
        ],
    )
    def gather_sorted(sidx_hbm, ord_hbm, p_hbm, tail_hbm, out_hbm,
                      sidx_v, ord_v, panel, ring, sem0, sem1):
        wid = lax.axis_index("s") * NC + lax.axis_index("c")
        base = wid * b_per_w
        pltpu.sync_copy(sidx_hbm.at[pl.ds(base, b_per_w)], sidx_v)
        pltpu.sync_copy(ord_hbm.at[pl.ds(base, b_per_w)], ord_v)
        lanes = lax.broadcasted_iota(jnp.int32, (L,), 0)

        def scalar_at(ref, s):
            v = plsc.load_gather(ref, [jnp.full((L,), s, jnp.int32)])
            return jnp.max(v)

        def body(slot, c_cur):
            i = scalar_at(sidx_v, slot)
            b = scalar_at(ord_v, slot)
            c = i >> 7
            lane = i & 127

            @pl.when(c != c_cur)
            def _stage():
                @pl.when(c != M0 // 128)
                def _full():
                    off = pl.multiple_of(c * 128, 128)
                    pltpu.sync_copy(p_hbm.at[:, pl.ds(off, 128)], panel)

                @pl.when(c == M0 // 128)
                def _tail():
                    pltpu.sync_copy(tail_hbm, panel)

            m = slot & 1
            rbase = pl.multiple_of(m * RB, 16)

            @pl.when(slot >= 2)
            def _drain():
                @pl.when(m == 0)
                def _():
                    pltpu.make_async_copy(
                        out_hbm.at[pl.ds(0, D)],
                        ring.at[pl.ds(0, D)], sem0).wait()

                @pl.when(m == 1)
                def _():
                    pltpu.make_async_copy(
                        out_hbm.at[pl.ds(0, D)],
                        ring.at[pl.ds(RB, D)], sem1).wait()

            lane_vec = jnp.full((L,), lane, jnp.int32)
            for g in range(NG):
                d0 = g * L
                d_vec = jnp.minimum(lanes + d0, D - 1)
                vals = plsc.load_gather(panel, [d_vec, lane_vec])
                ring[pl.ds(rbase + d0, L)] = vals

            @pl.when(m == 0)
            def _out0():
                pltpu.async_copy(
                    ring.at[pl.ds(0, D)],
                    out_hbm.at[pl.ds(b * D, D)], sem0)

            @pl.when(m == 1)
            def _out1():
                pltpu.async_copy(
                    ring.at[pl.ds(RB, D)],
                    out_hbm.at[pl.ds(b * D, D)], sem1)

            return c

        lax.fori_loop(0, b_per_w, body, jnp.int32(-1))
        pltpu.make_async_copy(
            out_hbm.at[pl.ds(0, D)], ring.at[pl.ds(0, D)], sem0).wait()
        pltpu.make_async_copy(
            out_hbm.at[pl.ds(0, D)], ring.at[pl.ds(RB, D)], sem1).wait()

    flat = gather_sorted(sorted_idx, order, logits_mem.T, tail_panel)
    return flat.reshape(B, D)

# --- scband reference (transcript-rebuilt; emitter-appended) ---
"""Pipeline reference for scband-memory-3161095929927 (READ-ONLY COPY).

The authoritative reference and input builder live on the scoring server;
editing this copy changes nothing except your own understanding.
"""

import jax, jax.numpy as jnp
import numpy as np

M = 100000        # number of stored samples in the memory bank
NUM_CLASSES = 1000  # imagenet
BATCH = 4096


def setup_inputs(seed: int = 0) -> dict:
    key = jax.random.key(seed)
    k1, k2, k3 = jax.random.split(key, 3)
    x = jax.random.normal(k1, (BATCH, NUM_CLASSES), dtype=jnp.float32)
    index = jax.random.randint(k2, (BATCH,), 0, M, dtype=jnp.int32)
    # learned/stored parameter: the logits memory bank (loaded from disk in the
    # original module via torch.load; materialized randomly here)
    logits_mem = jax.random.normal(k3, (M, NUM_CLASSES), dtype=jnp.float32)
    return {"x": x, "index": index, "logits_mem": logits_mem}


def reference(x, index, logits_mem):
    # Memory.forward with DISTILLER.TYPE='KD' (mask=8): only use_logits is True.
    # forward: logits = self.logits[index]; features dict entries are all None.
    # Faithful compute: a row-gather from the memory table.
    logits = jnp.take(logits_mem, index, axis=0)
    # features = {'feats': None, 'preact_feats': None, 'pooled_feat': None}
    # Return the tensor output (the None-valued features dict carries no arrays).
    return logits

if __name__ == "__main__":
    import jax
    _d = setup_inputs()
    print(jax.jit(kernel)(*tuple(_d.values())))

</pallas_src>

<mosaic_0001>
#map = affine_map<(d0, d1) -> (0)>
#map1 = affine_map<(d0, d1) -> (0, 0)>
module attributes {stable_mosaic.version = 14 : i64} {
  func.func @gather_sorted(%arg0: i32, %arg1: i32, %arg2: memref<4096xi32, #tpu.memory_space<hbm>>, %arg3: memref<4096xi32, #tpu.memory_space<hbm>>, %arg4: memref<1000x100000xf32, #tpu.memory_space<hbm>>, %arg5: memref<1000x128xf32, #tpu.memory_space<hbm>>, %arg6: memref<4096000xf32, #tpu.memory_space<hbm>>, %arg7: memref<128xi32, #tpu.memory_space<vmem>>, %arg8: memref<128xi32, #tpu.memory_space<vmem>>, %arg9: memref<1000x128xf32, #tpu.memory_space<vmem>>, %arg10: memref<2016xf32, #tpu.memory_space<vmem>>, %arg11: memref<!tpu.dma_semaphore, #tpu.memory_space<semaphore_mem>>, %arg12: memref<!tpu.dma_semaphore, #tpu.memory_space<semaphore_mem>>) attributes {dimension_semantics = [#tpu.dimension_semantics<core_parallel>, #tpu.dimension_semantics<subcore_parallel>], iteration_bounds = array<i64: 2, 16>, scalar_prefetch = 0 : i64, scratch_operands = 6 : i64, tpu.core_type = #tpu.core_type<sc_vector_subcore>, window_params = [{transform_indices = #map}, {transform_indices = #map}, {transform_indices = #map1}, {transform_indices = #map1}, {transform_indices = #map}]} {
    %mul3A = arith.constant 2 : i32
    %mul3A_0 = arith.muli %arg1, %mul3A : i32
    %add3A = arith.addi %mul3A_0, %arg0 : i32
    %mul3A_1 = arith.constant 128 : i32
    %mul3A_2 = arith.muli %add3A, %mul3A_1 : i32
    "tpu.region"() ({
      %run_scoped3A = tpu.sem_alloc : memref<!tpu.dma_semaphore, #tpu.memory_space<semaphore_mem>>
      %dma_start3A = tpu.memref_slice %arg2[%mul3A_2] : memref<4096xi32, #tpu.memory_space<hbm>> -> memref<128xi32, #tpu.memory_space<hbm>>
      %dma_start3A_24 = tpu.memref_slice %arg2[%mul3A_2] : memref<4096xi32, #tpu.memory_space<hbm>> -> memref<128xi32, #tpu.memory_space<hbm>>
      tpu.enqueue_dma source(%dma_start3A_24 : memref<128xi32, #tpu.memory_space<hbm>>) target(%arg7 : memref<128xi32, #tpu.memory_space<vmem>>) target_semaphore(%run_scoped3A : memref<!tpu.dma_semaphore, #tpu.memory_space<semaphore_mem>>)
      %dma_wait3A_25 = tpu.memref_slice %arg2[%mul3A_2] : memref<4096xi32, #tpu.memory_space<hbm>> -> memref<128xi32, #tpu.memory_space<hbm>>
      %dma_wait3A_26 = tpu.memref_slice %arg2[%mul3A_2] : memref<4096xi32, #tpu.memory_space<hbm>> -> memref<128xi32, #tpu.memory_space<hbm>>
      tpu.wait_dma2 semaphore(%run_scoped3A : memref<!tpu.dma_semaphore, #tpu.memory_space<semaphore_mem>>) src(%dma_wait3A_26 : memref<128xi32, #tpu.memory_space<hbm>>) dst(%arg7 : memref<128xi32, #tpu.memory_space<vmem>>)
      tpu.yield
    }) : () -> ()
    "tpu.region"() ({
      %run_scoped3A = tpu.sem_alloc : memref<!tpu.dma_semaphore, #tpu.memory_space<semaphore_mem>>
      %dma_start3A = tpu.memref_slice %arg3[%mul3A_2] : memref<4096xi32, #tpu.memory_space<hbm>> -> memref<128xi32, #tpu.memory_space<hbm>>
      %dma_start3A_24 = tpu.memref_slice %arg3[%mul3A_2] : memref<4096xi32, #tpu.memory_space<hbm>> -> memref<128xi32, #tpu.memory_space<hbm>>
      tpu.enqueue_dma source(%dma_start3A_24 : memref<128xi32, #tpu.memory_space<hbm>>) target(%arg8 : memref<128xi32, #tpu.memory_space<vmem>>) target_semaphore(%run_scoped3A : memref<!tpu.dma_semaphore, #tpu.memory_space<semaphore_mem>>)
      %dma_wait3A_25 = tpu.memref_slice %arg3[%mul3A_2] : memref<4096xi32, #tpu.memory_space<hbm>> -> memref<128xi32, #tpu.memory_space<hbm>>
      %dma_wait3A_26 = tpu.memref_slice %arg3[%mul3A_2] : memref<4096xi32, #tpu.memory_space<hbm>> -> memref<128xi32, #tpu.memory_space<hbm>>
      tpu.wait_dma2 semaphore(%run_scoped3A : memref<!tpu.dma_semaphore, #tpu.memory_space<semaphore_mem>>) src(%dma_wait3A_26 : memref<128xi32, #tpu.memory_space<hbm>>) dst(%arg8 : memref<128xi32, #tpu.memory_space<vmem>>)
      tpu.yield
    }) : () -> ()
    %iota3A = tpu.iota {dimensions = array<i32: 0>} : vector<16xi32>
    %scan3A = arith.constant -1 : i32
    %scan3A_3 = arith.constant 0 : i32
    %scan3A_4 = arith.constant 128 : i32
    %scan3A_5 = arith.addi %scan3A_3, %scan3A_4 : i32
    %scan3A_6 = arith.constant 1 : i32
    %scan3A_7 = scf.for %scan3A_24 = %scan3A_3 to %scan3A_5 step %scan3A_6 iter_args(%scan3A_25 = %scan3A) -> (i32)  : i32 {
      %broadcast_in_dim3A = vector.broadcast %scan3A_24 : i32 to vector<16xi32>
      %gather3A = tpu.vector_load_idx %arg7[%broadcast_in_dim3A] : memref<128xi32, #tpu.memory_space<vmem>>[vector<16xi32>], vector<16xi32>,
      %reduce_max3A = arith.constant true
      %reduce_max3A_26 = vector.broadcast %reduce_max3A : i1 to vector<16xi1>
      %reduce_max3A_27 = arith.constant -2147483648 : i32
      %reduce_max3A_28 = vector.broadcast %reduce_max3A_27 : i32 to vector<16xi32>
      %reduce_max3A_29 = arith.xori %gather3A, %reduce_max3A_28 : vector<16xi32>
      %reduce_max3A_30 = tpu.scan <max>, %reduce_max3A_29 masked %reduce_max3A_26 : vector<16xi32>, vector<16xi1> -> vector<16xi32>
      %reduce_max3A_31 = arith.xori %reduce_max3A_30, %reduce_max3A_28 : vector<16xi32>
      %reduce_max3A_32 = vector.extract %reduce_max3A_31[15] : i32 from vector<16xi32>
      %broadcast_in_dim3A_33 = vector.broadcast %scan3A_24 : i32 to vector<16xi32>
      %gather3A_34 = tpu.vector_load_idx %arg8[%broadcast_in_dim3A_33] : memref<128xi32, #tpu.memory_space<vmem>>[vector<16xi32>], vector<16xi32>,
      %reduce_max3A_35 = arith.constant true
      %reduce_max3A_36 = vector.broadcast %reduce_max3A_35 : i1 to vector<16xi1>
      %reduce_max3A_37 = arith.constant -2147483648 : i32
      %reduce_max3A_38 = vector.broadcast %reduce_max3A_37 : i32 to vector<16xi32>
      %reduce_max3A_39 = arith.xori %gather3A_34, %reduce_max3A_38 : vector<16xi32>
      %reduce_max3A_40 = tpu.scan <max>, %reduce_max3A_39 masked %reduce_max3A_36 : vector<16xi32>, vector<16xi1> -> vector<16xi32>
      %reduce_max3A_41 = arith.xori %reduce_max3A_40, %reduce_max3A_38 : vector<16xi32>
      %reduce_max3A_42 = vector.extract %reduce_max3A_41[15] : i32 from vector<16xi32>
      %shift_right_arithmetic3A = arith.constant 7 : i32
      %shift_right_arithmetic3A_43 = arith.shrsi %reduce_max3A_32, %shift_right_arithmetic3A : i32
      %and3A = arith.constant 127 : i32
      %and3A_44 = arith.andi %reduce_max3A_32, %and3A : i32
      %ne3A = arith.cmpi ne, %shift_right_arithmetic3A_43, %scan3A_25 : i32
      %convert_element_type3A = arith.extui %ne3A : i1 to i32
      %cond3A = arith.constant 0 : i32
      %cond3A_45 = arith.cmpi ne, %convert_element_type3A, %cond3A : i32
      scf.if %cond3A_45 {
        %ne3A_755 = arith.constant 781 : i32
        %ne3A_756 = arith.cmpi ne, %shift_right_arithmetic3A_43, %ne3A_755 : i32
        %convert_element_type3A_757 = arith.extui %ne3A_756 : i1 to i32
        %cond3A_758 = arith.constant 0 : i32
        %cond3A_759 = arith.cmpi ne, %convert_element_type3A_757, %cond3A_758 : i32
        scf.if %cond3A_759 {
          %mul3A_765 = arith.constant 128 : i32
          %mul3A_766 = arith.muli %shift_right_arithmetic3A_43, %mul3A_765 : i32
          %multiple_of3A_767 = tpu.assume_multiple %mul3A_766, 128 : i32
          "tpu.region"() ({
            %run_scoped3A = tpu.sem_alloc : memref<!tpu.dma_semaphore, #tpu.memory_space<semaphore_mem>>
            %dma_start3A = arith.constant 0 : i32
            %dma_start3A_768 = tpu.memref_slice %arg4[%dma_start3A, %multiple_of3A_767] : memref<1000x100000xf32, #tpu.memory_space<hbm>> -> memref<1000x128xf32, #tpu.memory_space<hbm>>
            %dma_start3A_769 = arith.constant 0 : i32
            %dma_start3A_770 = tpu.memref_slice %arg4[%dma_start3A_769, %multiple_of3A_767] : memref<1000x100000xf32, #tpu.memory_space<hbm>> -> memref<1000x128xf32, #tpu.memory_space<hbm>>
            tpu.enqueue_dma source(%dma_start3A_770 : memref<1000x128xf32, #tpu.memory_space<hbm>>) target(%arg9 : memref<1000x128xf32, #tpu.memory_space<vmem>>) target_semaphore(%run_scoped3A : memref<!tpu.dma_semaphore, #tpu.memory_space<semaphore_mem>>)
            %dma_wait3A_771 = arith.constant 0 : i32
            %dma_wait3A_772 = tpu.memref_slice %arg4[%dma_wait3A_771, %multiple_of3A_767] : memref<1000x100000xf32, #tpu.memory_space<hbm>> -> memref<1000x128xf32, #tpu.memory_space<hbm>>
            %dma_wait3A_773 = arith.constant 0 : i32
            %dma_wait3A_774 = tpu.memref_slice %arg4[%dma_wait3A_773, %multiple_of3A_767] : memref<1000x100000xf32, #tpu.memory_space<hbm>> -> memref<1000x128xf32, #tpu.memory_space<hbm>>
            tpu.wait_dma2 semaphore(%run_scoped3A : memref<!tpu.dma_semaphore, #tpu.memory_space<semaphore_mem>>) src(%dma_wait3A_774 : memref<1000x128xf32, #tpu.memory_space<hbm>>) dst(%arg9 : memref<1000x128xf32, #tpu.memory_space<vmem>>)
            tpu.yield
          }) : () -> ()
        } else {
        }
        %eq3A_760 = arith.constant 781 : i32
        %eq3A_761 = arith.cmpi eq, %shift_right_arithmetic3A_43, %eq3A_760 : i32
        %convert_element_type3A_762 = arith.extui %eq3A_761 : i1 to i32
        %cond3A_763 = arith.constant 0 : i32
        %cond3A_764 = arith.cmpi ne, %convert_element_type3A_762, %cond3A_763 : i32
        scf.if %cond3A_764 {
          "tpu.region"() ({
            %run_scoped3A = tpu.sem_alloc : memref<!tpu.dma_semaphore, #tpu.memory_space<semaphore_mem>>
            tpu.enqueue_dma source(%arg5 : memref<1000x128xf32, #tpu.memory_space<hbm>>) target(%arg9 : memref<1000x128xf32, #tpu.memory_space<vmem>>) target_semaphore(%run_scoped3A : memref<!tpu.dma_semaphore, #tpu.memory_space<semaphore_mem>>)
            tpu.wait_dma2 semaphore(%run_scoped3A : memref<!tpu.dma_semaphore, #tpu.memory_space<semaphore_mem>>) src(%arg5 : memref<1000x128xf32, #tpu.memory_space<hbm>>) dst(%arg9 : memref<1000x128xf32, #tpu.memory_space<vmem>>)
            tpu.yield
          }) : () -> ()
        } else {
        }
      } else {
      }
      %and3A_46 = arith.constant 1 : i32
      %and3A_47 = arith.andi %scan3A_24, %and3A_46 : i32
      %mul3A_48 = arith.constant 1008 : i32
      %mul3A_49 = arith.muli %and3A_47, %mul3A_48 : i32
      %multiple_of3A = tpu.assume_multiple %mul3A_49, 16 : i32
      %ge3A = arith.constant 2 : i32
      %ge3A_50 = arith.cmpi sge, %scan3A_24, %ge3A : i32
      %convert_element_type3A_51 = arith.extui %ge3A_50 : i1 to i32
      %cond3A_52 = arith.constant 0 : i32
      %cond3A_53 = arith.cmpi ne, %convert_element_type3A_51, %cond3A_52 : i32
      scf.if %cond3A_53 {
        %eq3A_755 = arith.constant 0 : i32
        %eq3A_756 = arith.cmpi eq, %and3A_47, %eq3A_755 : i32
        %convert_element_type3A_757 = arith.extui %eq3A_756 : i1 to i32
        %cond3A_758 = arith.constant 0 : i32
        %cond3A_759 = arith.cmpi ne, %convert_element_type3A_757, %cond3A_758 : i32
        scf.if %cond3A_759 {
          %dma_wait3A_765 = arith.constant 0 : i32
          %dma_wait3A_766 = tpu.memref_slice %arg10[%dma_wait3A_765] : memref<2016xf32, #tpu.memory_space<vmem>> -> memref<1000xf32, #tpu.memory_space<vmem>>
          %dma_wait3A_767 = arith.constant 0 : i32
          %dma_wait3A_768 = tpu.memref_slice %arg6[%dma_wait3A_767] : memref<4096000xf32, #tpu.memory_space<hbm>> -> memref<1000xf32, #tpu.memory_space<hbm>>
          %dma_wait3A_769 = arith.constant 0 : i32
          %dma_wait3A_770 = tpu.memref_slice %arg10[%dma_wait3A_769] : memref<2016xf32, #tpu.memory_space<vmem>> -> memref<1000xf32, #tpu.memory_space<vmem>>
          %dma_wait3A_771 = arith.constant 0 : i32
          %dma_wait3A_772 = tpu.memref_slice %arg6[%dma_wait3A_771] : memref<4096000xf32, #tpu.memory_space<hbm>> -> memref<1000xf32, #tpu.memory_space<hbm>>
          tpu.wait_dma2 semaphore(%arg11 : memref<!tpu.dma_semaphore, #tpu.memory_space<semaphore_mem>>) src(%dma_wait3A_772 : memref<1000xf32, #tpu.memory_space<hbm>>) dst(%dma_wait3A_770 : memref<1000xf32, #tpu.memory_space<vmem>>)
        } else {
        }
        %eq3A_760 = arith.constant 1 : i32
        %eq3A_761 = arith.cmpi eq, %and3A_47, %eq3A_760 : i32
        %convert_element_type3A_762 = arith.extui %eq3A_761 : i1 to i32
        %cond3A_763 = arith.constant 0 : i32
        %cond3A_764 = arith.cmpi ne, %convert_element_type3A_762, %cond3A_763 : i32
        scf.if %cond3A_764 {
          %dma_wait3A_765 = arith.constant 1008 : i32
          %dma_wait3A_766 = tpu.memref_slice %arg10[%dma_wait3A_765] : memref<2016xf32, #tpu.memory_space<vmem>> -> memref<1000xf32, #tpu.memory_space<vmem>>
          %dma_wait3A_767 = arith.constant 0 : i32
          %dma_wait3A_768 = tpu.memref_slice %arg6[%dma_wait3A_767] : memref<4096000xf32, #tpu.memory_space<hbm>> -> memref<1000xf32, #tpu.memory_space<hbm>>
          %dma_wait3A_769 = arith.constant 1008 : i32
          %dma_wait3A_770 = tpu.memref_slice %arg10[%dma_wait3A_769] : memref<2016xf32, #tpu.memory_space<vmem>> -> memref<1000xf32, #tpu.memory_space<vmem>>
          %dma_wait3A_771 = arith.constant 0 : i32
          %dma_wait3A_772 = tpu.memref_slice %arg6[%dma_wait3A_771] : memref<4096000xf32, #tpu.memory_space<hbm>> -> memref<1000xf32, #tpu.memory_space<hbm>>
          tpu.wait_dma2 semaphore(%arg12 : memref<!tpu.dma_semaphore, #tpu.memory_space<semaphore_mem>>) src(%dma_wait3A_772 : memref<1000xf32, #tpu.memory_space<hbm>>) dst(%dma_wait3A_770 : memref<1000xf32, #tpu.memory_space<vmem>>)
        } else {
        }
      } else {
      }
      %broadcast_in_dim3A_54 = vector.broadcast %and3A_44 : i32 to vector<16xi32>
      %add3A_55 = arith.constant 0 : i32
      %add3A_56 = vector.broadcast %add3A_55 : i32 to vector<16xi32>
      %add3A_57 = arith.addi %iota3A, %add3A_56 : vector<16xi32>
      %min3A = arith.constant 999 : i32
      %min3A_58 = vector.broadcast %min3A : i32 to vector<16xi32>
      %min3A_59 = arith.minsi %add3A_57, %min3A_58 : vector<16xi32>
      %gather3A_60 = tpu.vector_load_idx %arg9[%min3A_59, %broadcast_in_dim3A_54] : memref<1000x128xf32, #tpu.memory_space<vmem>>[vector<16xi32>, vector<16xi32>], vector<16xf32>,
      %add3A_61 = arith.constant 0 : i32
      %add3A_62 = arith.addi %multiple_of3A, %add3A_61 : i32
      %swap3A = arith.index_cast %add3A_62 : i32 to index
      %swap3A_63 = tpu.vector_load %arg10[%swap3A] {strides = array<i32>} : memref<2016xf32, #tpu.memory_space<vmem>>, vector<16xf32>,
      tpu.vector_store %arg10[%swap3A], %gather3A_60 {strides = array<i32>} : memref<2016xf32, #tpu.memory_space<vmem>>, vector<16xf32>,
      %add3A_64 = arith.constant 16 : i32
      %add3A_65 = vector.broadcast %add3A_64 : i32 to vector<16xi32>
      %add3A_66 = arith.addi %iota3A, %add3A_65 : vector<16xi32>
      %min3A_67 = arith.constant 999 : i32
      %min3A_68 = vector.broadcast %min3A_67 : i32 to vector<16xi32>
      %min3A_69 = arith.minsi %add3A_66, %min3A_68 : vector<16xi32>
      %gather3A_70 = tpu.vector_load_idx %arg9[%min3A_69, %broadcast_in_dim3A_54] : memref<1000x128xf32, #tpu.memory_space<vmem>>[vector<16xi32>, vector<16xi32>], vector<16xf32>,
      %add3A_71 = arith.constant 16 : i32
      %add3A_72 = arith.addi %multiple_of3A, %add3A_71 : i32
      %swap3A_73 = arith.index_cast %add3A_72 : i32 to index
      %swap3A_74 = tpu.vector_load %arg10[%swap3A_73] {strides = array<i32>} : memref<2016xf32, #tpu.memory_space<vmem>>, vector<16xf32>,
      tpu.vector_store %arg10[%swap3A_73], %gather3A_70 {strides = array<i32>} : memref<2016xf32, #tpu.memory_space<vmem>>, vector<16xf32>,
      %add3A_75 = arith.constant 32 : i32
      %add3A_76 = vector.broadcast %add3A_75 : i32 to vector<16xi32>
      %add3A_77 = arith.addi %iota3A, %add3A_76 : vector<16xi32>
      %min3A_78 = arith.constant 999 : i32
      %min3A_79 = vector.broadcast %min3A_78 : i32 to vector<16xi32>
      %min3A_80 = arith.minsi %add3A_77, %min3A_79 : vector<16xi32>
      %gather3A_81 = tpu.vector_load_idx %arg9[%min3A_80, %broadcast_in_dim3A_54] : memref<1000x128xf32, #tpu.memory_space<vmem>>[vector<16xi32>, vector<16xi32>], vector<16xf32>,
      %add3A_82 = arith.constant 32 : i32
      %add3A_83 = arith.addi %multiple_of3A, %add3A_82 : i32
      %swap3A_84 = arith.index_cast %add3A_83 : i32 to index
      %swap3A_85 = tpu.vector_load %arg10[%swap3A_84] {strides = array<i32>} : memref<2016xf32, #tpu.memory_space<vmem>>, vector<16xf32>,
      tpu.vector_store %arg10[%swap3A_84], %gather3A_81 {strides = array<i32>} : memref<2016xf32, #tpu.memory_space<vmem>>, vector<16xf32>,
      %add3A_86 = arith.constant 48 : i32
      %add3A_87 = vector.broadcast %add3A_86 : i32 to vector<16xi32>
      %add3A_88 = arith.addi %iota3A, %add3A_87 : vector<16xi32>
      %min3A_89 = arith.constant 999 : i32
      %min3A_90 = vector.broadcast %min3A_89 : i32 to vector<16xi32>
      %min3A_91 = arith.minsi %add3A_88, %min3A_90 : vector<16xi32>
      %gather3A_92 = tpu.vector_load_idx %arg9[%min3A_91, %broadcast_in_dim3A_54] : memref<1000x128xf32, #tpu.memory_space<vmem>>[vector<16xi32>, vector<16xi32>], vector<16xf32>,
      %add3A_93 = arith.constant 48 : i32
      %add3A_94 = arith.addi %multiple_of3A, %add3A_93 : i32
      %swap3A_95 = arith.index_cast %add3A_94 : i32 to index
      %swap3A_96 = tpu.vector_load %arg10[%swap3A_95] {strides = array<i32>} : memref<2016xf32, #tpu.memory_space<vmem>>, vector<16xf32>,
      tpu.vector_store %arg10[%swap3A_95], %gather3A_92 {strides = array<i32>} : memref<2016xf32, #tpu.memory_space<vmem>>, vector<16xf32>,
      %add3A_97 = arith.constant 64 : i32
      %add3A_98 = vector.broadcast %add3A_97 : i32 to vector<16xi32>
      %add3A_99 = arith.addi %iota3A, %add3A_98 : vector<16xi32>
      %min3A_100 = arith.constant 999 : i32
      %min3A_101 = vector.broadcast %min3A_100 : i32 to vector<16xi32>
      %min3A_102 = arith.minsi %add3A_99, %min3A_101 : vector<16xi32>
      %gather3A_103 = tpu.vector_load_idx %arg9[%min3A_102, %broadcast_in_dim3A_54] : memref<1000x128xf32, #tpu.memory_space<vmem>>[vector<16xi32>, vector<16xi32>], vector<16xf32>,
      %add3A_104 = arith.constant 64 : i32
      %add3A_105 = arith.addi %multiple_of3A, %add3A_104 : i32
      %swap3A_106 = arith.index_cast %add3A_105 : i32 to index
      %swap3A_107 = tpu.vector_load %arg10[%swap3A_106] {strides = array<i32>} : memref<2016xf32, #tpu.memory_space<vmem>>, vector<16xf32>,
      tpu.vector_store %arg10[%swap3A_106], %gather3A_103 {strides = array<i32>} : memref<2016xf32, #tpu.memory_space<vmem>>, vector<16xf32>,
      %add3A_108 = arith.constant 80 : i32
      %add3A_109 = vector.broadcast %add3A_108 : i32 to vector<16xi32>
      %add3A_110 = arith.addi %iota3A, %add3A_109 : vector<16xi32>
      %min3A_111 = arith.constant 999 : i32
      %min3A_112 = vector.broadcast %min3A_111 : i32 to vector<16xi32>
      %min3A_113 = arith.minsi %add3A_110, %min3A_112 : vector<16xi32>
      %gather3A_114 = tpu.vector_load_idx %arg9[%min3A_113, %broadcast_in_dim3A_54] : memref<1000x128xf32, #tpu.memory_space<vmem>>[vector<16xi32>, vector<16xi32>], vector<16xf32>,
      %add3A_115 = arith.constant 80 : i32
      %add3A_116 = arith.addi %multiple_of3A, %add3A_115 : i32
      %swap3A_117 = arith.index_cast %add3A_116 : i32 to index
      %swap3A_118 = tpu.vector_load %arg10[%swap3A_117] {strides = array<i32>} : memref<2016xf32, #tpu.memory_space<vmem>>, vector<16xf32>,
      tpu.vector_store %arg10[%swap3A_117], %gather3A_114 {strides = array<i32>} : memref<2016xf32, #tpu.memory_space<vmem>>, vector<16xf32>,
      %add3A_119 = arith.constant 96 : i32
      %add3A_120 = vector.broadcast %add3A_119 : i32 to vector<16xi32>
      %add3A_121 = arith.addi %iota3A, %add3A_120 : vector<16xi32>
      %min3A_122 = arith.constant 999 : i32
      %min3A_123 = vector.broadcast %min3A_122 : i32 to vector<16xi32>
      %min3A_124 = arith.minsi %add3A_121, %min3A_123 : vector<16xi32>
      %gather3A_125 = tpu.vector_load_idx %arg9[%min3A_124, %broadcast_in_dim3A_54] : memref<1000x128xf32, #tpu.memory_space<vmem>>[vector<16xi32>, vector<16xi32>], vector<16xf32>,
      %add3A_126 = arith.constant 96 : i32
      %add3A_127 = arith.addi %multiple_of3A, %add3A_126 : i32
      %swap3A_128 = arith.index_cast %add3A_127 : i32 to index
      %swap3A_129 = tpu.vector_load %arg10[%swap3A_128] {strides = array<i32>} : memref<2016xf32, #tpu.memory_space<vmem>>, vector<16xf32>,
      tpu.vector_store %arg10[%swap3A_128], %gather3A_125 {strides = array<i32>} : memref<2016xf32, #tpu.memory_space<vmem>>, vector<16xf32>,
      %add3A_130 = arith.constant 112 : i32
      %add3A_131 = vector.broadcast %add3A_130 : i32 to vector<16xi32>
      %add3A_132 = arith.addi %iota3A, %add3A_131 : vector<16xi32>
      %min3A_133 = arith.constant 999 : i32
      %min3A_134 = vector.broadcast %min3A_133 : i32 to vector<16xi32>
      %min3A_135 = arith.minsi %add3A_132, %min3A_134 : vector<16xi32>
      %gather3A_136 = tpu.vector_load_idx %arg9[%min3A_135, %broadcast_in_dim3A_54] : memref<1000x128xf32, #tpu.memory_space<vmem>>[vector<16xi32>, vector<16xi32>], vector<16xf32>,
      %add3A_137 = arith.constant 112 : i32
      %add3A_138 = arith.addi %multiple_of3A, %add3A_137 : i32
      %swap3A_139 = arith.index_cast %add3A_138 : i32 to index
      %swap3A_140 = tpu.vector_load %arg10[%swap3A_139] {strides = array<i32>} : memref<2016xf32, #tpu.memory_space<vmem>>, vector<16xf32>,
      tpu.vector_store %arg10[%swap3A_139], %gather3A_136 {strides = array<i32>} : memref<2016xf32, #tpu.memory_space<vmem>>, vector<16xf32>,
      %add3A_141 = arith.constant 128 : i32
      %add3A_142 = vector.broadcast %add3A_141 : i32 to vector<16xi32>
      %add3A_143 = arith.addi %iota3A, %add3A_142 : vector<16xi32>
      %min3A_144 = arith.constant 999 : i32
      %min3A_145 = vector.broadcast %min3A_144 : i32 to vector<16xi32>
      %min3A_146 = arith.minsi %add3A_143, %min3A_145 : vector<16xi32>
      %gather3A_147 = tpu.vector_load_idx %arg9[%min3A_146, %broadcast_in_dim3A_54] : memref<1000x128xf32, #tpu.memory_space<vmem>>[vector<16xi32>, vector<16xi32>], vector<16xf32>,
      %add3A_148 = arith.constant 128 : i32
      %add3A_149 = arith.addi %multiple_of3A, %add3A_148 : i32
      %swap3A_150 = arith.index_cast %add3A_149 : i32 to index
      %swap3A_151 = tpu.vector_load %arg10[%swap3A_150] {strides = array<i32>} : memref<2016xf32, #tpu.memory_space<vmem>>, vector<16xf32>,
      tpu.vector_store %arg10[%swap3A_150], %gather3A_147 {strides = array<i32>} : memref<2016xf32, #tpu.memory_space<vmem>>, vector<16xf32>,
      %add3A_152 = arith.constant 144 : i32
      %add3A_153 = vector.broadcast %add3A_152 : i32 to vector<16xi32>
      %add3A_154 = arith.addi %iota3A, %add3A_153 : vector<16xi32>
      %min3A_155 = arith.constant 999 : i32
      %min3A_156 = vector.broadcast %min3A_155 : i32 to vector<16xi32>
      %min3A_157 = arith.minsi %add3A_154, %min3A_156 : vector<16xi32>
      %gather3A_158 = tpu.vector_load_idx %arg9[%min3A_157, %broadcast_in_dim3A_54] : memref<1000x128xf32, #tpu.memory_space<vmem>>[vector<16xi32>, vector<16xi32>], vector<16xf32>,
      %add3A_159 = arith.constant 144 : i32
      %add3A_160 = arith.addi %multiple_of3A, %add3A_159 : i32
      %swap3A_161 = arith.index_cast %add3A_160 : i32 to index
      %swap3A_162 = tpu.vector_load %arg10[%swap3A_161] {strides = array<i32>} : memref<2016xf32, #tpu.memory_space<vmem>>, vector<16xf32>,
      tpu.vector_store %arg10[%swap3A_161], %gather3A_158 {strides = array<i32>} : memref<2016xf32, #tpu.memory_space<vmem>>, vector<16xf32>,
      %add3A_163 = arith.constant 160 : i32
      %add3A_164 = vector.broadcast %add3A_163 : i32 to vector<16xi32>
      %add3A_165 = arith.addi %iota3A, %add3A_164 : vector<16xi32>
      %min3A_166 = arith.constant 999 : i32
      %min3A_167 = vector.broadcast %min3A_166 : i32 to vector<16xi32>
      %min3A_168 = arith.minsi %add3A_165, %min3A_167 : vector<16xi32>
      %gather3A_169 = tpu.vector_load_idx %arg9[%min3A_168, %broadcast_in_dim3A_54] : memref<1000x128xf32, #tpu.memory_space<vmem>>[vector<16xi32>, vector<16xi32>], vector<16xf32>,
      %add3A_170 = arith.constant 160 : i32
      %add3A_171 = arith.addi %multiple_of3A, %add3A_170 : i32
      %swap3A_172 = arith.index_cast %add3A_171 : i32 to index
      %swap3A_173 = tpu.vector_load %arg10[%swap3A_172] {strides = array<i32>} : memref<2016xf32, #tpu.memory_space<vmem>>, vector<16xf32>,
      tpu.vector_store %arg10[%swap3A_172], %gather3A_169 {strides = array<i32>} : memref<2016xf32, #tpu.memory_space<vmem>>, vector<16xf32>,
      %add3A_174 = arith.constant 176 : i32
      %add3A_175 = vector.broadcast %add3A_174 : i32 to vector<16xi32>
      %add3A_176 = arith.addi %iota3A, %add3A_175 : vector<16xi32>
      %min3A_177 = arith.constant 999 : i32
      %min3A_178 = vector.broadcast %min3A_177 : i32 to vector<16xi32>
      %min3A_179 = arith.minsi %add3A_176, %min3A_178 : vector<16xi32>
      %gather3A_180 = tpu.vector_load_idx %arg9[%min3A_179, %broadcast_in_dim3A_54] : memref<1000x128xf32, #tpu.memory_space<vmem>>[vector<16xi32>, vector<16xi32>], vector<16xf32>,
      %add3A_181 = arith.constant 176 : i32
      %add3A_182 = arith.addi %multiple_of3A, %add3A_181 : i32
      %swap3A_183 = arith.index_cast %add3A_182 : i32 to index
      %swap3A_184 = tpu.vector_load %arg10[%swap3A_183] {strides = array<i32>} : memref<2016xf32, #tpu.memory_space<vmem>>, vector<16xf32>,
      tpu.vector_store %arg10[%swap3A_183], %gather3A_180 {strides = array<i32>} : memref<2016xf32, #tpu.memory_space<vmem>>, vector<16xf32>,
      %add3A_185 = arith.constant 192 : i32
      %add3A_186 = vector.broadcast %add3A_185 : i32 to vector<16xi32>
      %add3A_187 = arith.addi %iota3A, %add3A_186 : vector<16xi32>
      %min3A_188 = arith.constant 999 : i32
      %min3A_189 = vector.broadcast %min3A_188 : i32 to vector<16xi32>
      %min3A_190 = arith.minsi %add3A_187, %min3A_189 : vector<16xi32>
      %gather3A_191 = tpu.vector_load_idx %arg9[%min3A_190, %broadcast_in_dim3A_54] : memref<1000x128xf32, #tpu.memory_space<vmem>>[vector<16xi32>, vector<16xi32>], vector<16xf32>,
      %add3A_192 = arith.constant 192 : i32
      %add3A_193 = arith.addi %multiple_of3A, %add3A_192 : i32
      %swap3A_194 = arith.index_cast %add3A_193 : i32 to index
      %swap3A_195 = tpu.vector_load %arg10[%swap3A_194] {strides = array<i32>} : memref<2016xf32, #tpu.memory_space<vmem>>, vector<16xf32>,
      tpu.vector_store %arg10[%swap3A_194], %gather3A_191 {strides = array<i32>} : memref<2016xf32, #tpu.memory_space<vmem>>, vector<16xf32>,
      %add3A_196 = arith.constant 208 : i32
      %add3A_197 = vector.broadcast %add3A_196 : i32 to vector<16xi32>
      %add3A_198 = arith.addi %iota3A, %add3A_197 : vector<16xi32>
      %min3A_199 = arith.constant 999 : i32
      %min3A_200 = vector.broadcast %min3A_199 : i32 to vector<16xi32>
      %min3A_201 = arith.minsi %add3A_198, %min3A_200 : vector<16xi32>
      %gather3A_202 = tpu.vector_load_idx %arg9[%min3A_201, %broadcast_in_dim3A_54] : memref<1000x128xf32, #tpu.memory_space<vmem>>[vector<16xi32>, vector<16xi32>], vector<16xf32>,
      %add3A_203 = arith.constant 208 : i32
      %add3A_204 = arith.addi %multiple_of3A, %add3A_203 : i32
      %swap3A_205 = arith.index_cast %add3A_204 : i32 to index
      %swap3A_206 = tpu.vector_load %arg10[%swap3A_205] {strides = array<i32>} : memref<2016xf32, #tpu.memory_space<vmem>>, vector<16xf32>,
      tpu.vector_store %arg10[%swap3A_205], %gather3A_202 {strides = array<i32>} : memref<2016xf32, #tpu.memory_space<vmem>>, vector<16xf32>,
      %add3A_207 = arith.constant 224 : i32
      %add3A_208 = vector.broadcast %add3A_207 : i32 to vector<16xi32>
      %add3A_209 = arith.addi %iota3A, %add3A_208 : vector<16xi32>
      %min3A_210 = arith.constant 999 : i32
      %min3A_211 = vector.broadcast %min3A_210 : i32 to vector<16xi32>
      %min3A_212 = arith.minsi %add3A_209, %min3A_211 : vector<16xi32>
      %gather3A_213 = tpu.vector_load_idx %arg9[%min3A_212, %broadcast_in_dim3A_54] : memref<1000x128xf32, #tpu.memory_space<vmem>>[vector<16xi32>, vector<16xi32>], vector<16xf32>,
      %add3A_214 = arith.constant 224 : i32
      %add3A_215 = arith.addi %multiple_of3A, %add3A_214 : i32
      %swap3A_216 = arith.index_cast %add3A_215 : i32 to index
      %swap3A_217 = tpu.vector_load %arg10[%swap3A_216] {strides = array<i32>} : memref<2016xf32, #tpu.memory_space<vmem>>, vector<16xf32>,
      tpu.vector_store %arg10[%swap3A_216], %gather3A_213 {strides = array<i32>} : memref<2016xf32, #tpu.memory_space<vmem>>, vector<16xf32>,
      %add3A_218 = arith.constant 240 : i32
      %add3A_219 = vector.broadcast %add3A_218 : i32 to vector<16xi32>
      %add3A_220 = arith.addi %iota3A, %add3A_219 : vector<16xi32>
      %min3A_221 = arith.constant 999 : i32
      %min3A_222 = vector.broadcast %min3A_221 : i32 to vector<16xi32>
      %min3A_223 = arith.minsi %add3A_220, %min3A_222 : vector<16xi32>
      %gather3A_224 = tpu.vector_load_idx %arg9[%min3A_223, %broadcast_in_dim3A_54] : memref<1000x128xf32, #tpu.memory_space<vmem>>[vector<16xi32>, vector<16xi32>], vector<16xf32>,
      %add3A_225 = arith.constant 240 : i32
      %add3A_226 = arith.addi %multiple_of3A, %add3A_225 : i32
      %swap3A_227 = arith.index_cast %add3A_226 : i32 to index
      %swap3A_228 = tpu.vector_load %arg10[%swap3A_227] {strides = array<i32>} : memref<2016xf32, #tpu.memory_space<vmem>>, vector<16xf32>,
      tpu.vector_store %arg10[%swap3A_227], %gather3A_224 {strides = array<i32>} : memref<2016xf32, #tpu.memory_space<vmem>>, vector<16xf32>,
      %add3A_229 = arith.constant 256 : i32
      %add3A_230 = vector.broadcast %add3A_229 : i32 to vector<16xi32>
      %add3A_231 = arith.addi %iota3A, %add3A_230 : vector<16xi32>
      %min3A_232 = arith.constant 999 : i32
      %min3A_233 = vector.broadcast %min3A_232 : i32 to vector<16xi32>
      %min3A_234 = arith.minsi %add3A_231, %min3A_233 : vector<16xi32>
      %gather3A_235 = tpu.vector_load_idx %arg9[%min3A_234, %broadcast_in_dim3A_54] : memref<1000x128xf32, #tpu.memory_space<vmem>>[vector<16xi32>, vector<16xi32>], vector<16xf32>,
      %add3A_236 = arith.constant 256 : i32
      %add3A_237 = arith.addi %multiple_of3A, %add3A_236 : i32
      %swap3A_238 = arith.index_cast %add3A_237 : i32 to index
      %swap3A_239 = tpu.vector_load %arg10[%swap3A_238] {strides = array<i32>} : memref<2016xf32, #tpu.memory_space<vmem>>, vector<16xf32>,
      tpu.vector_store %arg10[%swap3A_238], %gather3A_235 {strides = array<i32>} : memref<2016xf32, #tpu.memory_space<vmem>>, vector<16xf32>,
      %add3A_240 = arith.constant 272 : i32
      %add3A_241 = vector.broadcast %add3A_240 : i32 to vector<16xi32>
      %add3A_242 = arith.addi %iota3A, %add3A_241 : vector<16xi32>
      %min3A_243 = arith.constant 999 : i32
      %min3A_244 = vector.broadcast %min3A_243 : i32 to vector<16xi32>
      %min3A_245 = arith.minsi %add3A_242, %min3A_244 : vector<16xi32>
      %gather3A_246 = tpu.vector_load_idx %arg9[%min3A_245, %broadcast_in_dim3A_54] : memref<1000x128xf32, #tpu.memory_space<vmem>>[vector<16xi32>, vector<16xi32>], vector<16xf32>,
      %add3A_247 = arith.constant 272 : i32
      %add3A_248 = arith.addi %multiple_of3A, %add3A_247 : i32
      %swap3A_249 = arith.index_cast %add3A_248 : i32 to index
      %swap3A_250 = tpu.vector_load %arg10[%swap3A_249] {strides = array<i32>} : memref<2016xf32, #tpu.memory_space<vmem>>, vector<16xf32>,
      tpu.vector_store %arg10[%swap3A_249], %gather3A_246 {strides = array<i32>} : memref<2016xf32, #tpu.memory_space<vmem>>, vector<16xf32>,
      %add3A_251 = arith.constant 288 : i32
      %add3A_252 = vector.broadcast %add3A_251 : i32 to vector<16xi32>
      %add3A_253 = arith.addi %iota3A, %add3A_252 : vector<16xi32>
      %min3A_254 = arith.constant 999 : i32
      %min3A_255 = vector.broadcast %min3A_254 : i32 to vector<16xi32>
      %min3A_256 = arith.minsi %add3A_253, %min3A_255 : vector<16xi32>
      %gather3A_257 = tpu.vector_load_idx %arg9[%min3A_256, %broadcast_in_dim3A_54] : memref<1000x128xf32, #tpu.memory_space<vmem>>[vector<16xi32>, vector<16xi32>], vector<16xf32>,
      %add3A_258 = arith.constant 288 : i32
      %add3A_259 = arith.addi %multiple_of3A, %add3A_258 : i32
      %swap3A_260 = arith.index_cast %add3A_259 : i32 to index
      %swap3A_261 = tpu.vector_load %arg10[%swap3A_260] {strides = array<i32>} : memref<2016xf32, #tpu.memory_space<vmem>>, vector<16xf32>,
      tpu.vector_store %arg10[%swap3A_260], %gather3A_257 {strides = array<i32>} : memref<2016xf32, #tpu.memory_space<vmem>>, vector<16xf32>,
      %add3A_262 = arith.constant 304 : i32
      %add3A_263 = vector.broadcast %add3A_262 : i32 to vector<16xi32>
      %add3A_264 = arith.addi %iota3A, %add3A_263 : vector<16xi32>
      %min3A_265 = arith.constant 999 : i32
      %min3A_266 = vector.broadcast %min3A_265 : i32 to vector<16xi32>
      %min3A_267 = arith.minsi %add3A_264, %min3A_266 : vector<16xi32>
      %gather3A_268 = tpu.vector_load_idx %arg9[%min3A_267, %broadcast_in_dim3A_54] : memref<1000x128xf32, #tpu.memory_space<vmem>>[vector<16xi32>, vector<16xi32>], vector<16xf32>,
      %add3A_269 = arith.constant 304 : i32
      %add3A_270 = arith.addi %multiple_of3A, %add3A_269 : i32
      %swap3A_271 = arith.index_cast %add3A_270 : i32 to index
      %swap3A_272 = tpu.vector_load %arg10[%swap3A_271] {strides = array<i32>} : memref<2016xf32, #tpu.memory_space<vmem>>, vector<16xf32>,
      tpu.vector_store %arg10[%swap3A_271], %gather3A_268 {strides = array<i32>} : memref<2016xf32, #tpu.memory_space<vmem>>, vector<16xf32>,
      %add3A_273 = arith.constant 320 : i32
      %add3A_274 = vector.broadcast %add3A_273 : i32 to vector<16xi32>
      %add3A_275 = arith.addi %iota3A, %add3A_274 : vector<16xi32>
      %min3A_276 = arith.constant 999 : i32
      %min3A_277 = vector.broadcast %min3A_276 : i32 to vector<16xi32>
      %min3A_278 = arith.minsi %add3A_275, %min3A_277 : vector<16xi32>
      %gather3A_279 = tpu.vector_load_idx %arg9[%min3A_278, %broadcast_in_dim3A_54] : memref<1000x128xf32, #tpu.memory_space<vmem>>[vector<16xi32>, vector<16xi32>], vector<16xf32>,
      %add3A_280 = arith.constant 320 : i32
      %add3A_281 = arith.addi %multiple_of3A, %add3A_280 : i32
      %swap3A_282 = arith.index_cast %add3A_281 : i32 to index
      %swap3A_283 = tpu.vector_load %arg10[%swap3A_282] {strides = array<i32>} : memref<2016xf32, #tpu.memory_space<vmem>>, vector<16xf32>,
      tpu.vector_store %arg10[%swap3A_282], %gather3A_279 {strides = array<i32>} : memref<2016xf32, #tpu.memory_space<vmem>>, vector<16xf32>,
      %add3A_284 = arith.constant 336 : i32
      %add3A_285 = vector.broadcast %add3A_284 : i32 to vector<16xi32>
      %add3A_286 = arith.addi %iota3A, %add3A_285 : vector<16xi32>
      %min3A_287 = arith.constant 999 : i32
      %min3A_288 = vector.broadcast %min3A_287 : i32 to vector<16xi32>
      %min3A_289 = arith.minsi %add3A_286, %min3A_288 : vector<16xi32>
      %gather3A_290 = tpu.vector_load_idx %arg9[%min3A_289, %broadcast_in_dim3A_54] : memref<1000x128xf32, #tpu.memory_space<vmem>>[vector<16xi32>, vector<16xi32>], vector<16xf32>,
      %add3A_291 = arith.constant 336 : i32
      %add3A_292 = arith.addi %multiple_of3A, %add3A_291 : i32
      %swap3A_293 = arith.index_cast %add3A_292 : i32 to index
      %swap3A_294 = tpu.vector_load %arg10[%swap3A_293] {strides = array<i32>} : memref<2016xf32, #tpu.memory_space<vmem>>, vector<16xf32>,
      tpu.vector_store %arg10[%swap3A_293], %gather3A_290 {strides = array<i32>} : memref<2016xf32, #tpu.memory_space<vmem>>, vector<16xf32>,
      %add3A_295 = arith.constant 352 : i32
      %add3A_296 = vector.broadcast %add3A_295 : i32 to vector<16xi32>
      %add3A_297 = arith.addi %iota3A, %add3A_296 : vector<16xi32>
      %min3A_298 = arith.constant 999 : i32
      %min3A_299 = vector.broadcast %min3A_298 : i32 to vector<16xi32>
      %min3A_300 = arith.minsi %add3A_297, %min3A_299 : vector<16xi32>
      %gather3A_301 = tpu.vector_load_idx %arg9[%min3A_300, %broadcast_in_dim3A_54] : memref<1000x128xf32, #tpu.memory_space<vmem>>[vector<16xi32>, vector<16xi32>], vector<16xf32>,
      %add3A_302 = arith.constant 352 : i32
      %add3A_303 = arith.addi %multiple_of3A, %add3A_302 : i32
      %swap3A_304 = arith.index_cast %add3A_303 : i32 to index
      %swap3A_305 = tpu.vector_load %arg10[%swap3A_304] {strides = array<i32>} : memref<2016xf32, #tpu.memory_space<vmem>>, vector<16xf32>,
      tpu.vector_store %arg10[%swap3A_304], %gather3A_301 {strides = array<i32>} : memref<2016xf32, #tpu.memory_space<vmem>>, vector<16xf32>,
      %add3A_306 = arith.constant 368 : i32
      %add3A_307 = vector.broadcast %add3A_306 : i32 to vector<16xi32>
      %add3A_308 = arith.addi %iota3A, %add3A_307 : vector<16xi32>
      %min3A_309 = arith.constant 999 : i32
      %min3A_310 = vector.broadcast %min3A_309 : i32 to vector<16xi32>
      %min3A_311 = arith.minsi %add3A_308, %min3A_310 : vector<16xi32>
      %gather3A_312 = tpu.vector_load_idx %arg9[%min3A_311, %broadcast_in_dim3A_54] : memref<1000x128xf32, #tpu.memory_space<vmem>>[vector<16xi32>, vector<16xi32>], vector<16xf32>,
      %add3A_313 = arith.constant 368 : i32
      %add3A_314 = arith.addi %multiple_of3A, %add3A_313 : i32
      %swap3A_315 = arith.index_cast %add3A_314 : i32 to index
      %swap3A_316 = tpu.vector_load %arg10[%swap3A_315] {strides = array<i32>} : memref<2016xf32, #tpu.memory_space<vmem>>, vector<16xf32>,
      tpu.vector_store %arg10[%swap3A_315], %gather3A_312 {strides = array<i32>} : memref<2016xf32, #tpu.memory_space<vmem>>, vector<16xf32>,
      %add3A_317 = arith.constant 384 : i32
      %add3A_318 = vector.broadcast %add3A_317 : i32 to vector<16xi32>
      %add3A_319 = arith.addi %iota3A, %add3A_318 : vector<16xi32>
      %min3A_320 = arith.constant 999 : i32
      %min3A_321 = vector.broadcast %min3A_320 : i32 to vector<16xi32>
      %min3A_322 = arith.minsi %add3A_319, %min3A_321 : vector<16xi32>
      %gather3A_323 = tpu.vector_load_idx %arg9[%min3A_322, %broadcast_in_dim3A_54] : memref<1000x128xf32, #tpu.memory_space<vmem>>[vector<16xi32>, vector<16xi32>], vector<16xf32>,
      %add3A_324 = arith.constant 384 : i32
      %add3A_325 = arith.addi %multiple_of3A, %add3A_324 : i32
      %swap3A_326 = arith.index_cast %add3A_325 : i32 to index
      %swap3A_327 = tpu.vector_load %arg10[%swap3A_326] {strides = array<i32>} : memref<2016xf32, #tpu.memory_space<vmem>>, vector<16xf32>,
      tpu.vector_store %arg10[%swap3A_326], %gather3A_323 {strides = array<i32>} : memref<2016xf32, #tpu.memory_space<vmem>>, vector<16xf32>,
      %add3A_328 = arith.constant 400 : i32
      %add3A_329 = vector.broadcast %add3A_328 : i32 to vector<16xi32>
      %add3A_330 = arith.addi %iota3A, %add3A_329 : vector<16xi32>
      %min3A_331 = arith.constant 999 : i32
      %min3A_332 = vector.broadcast %min3A_331 : i32 to vector<16xi32>
      %min3A_333 = arith.minsi %add3A_330, %min3A_332 : vector<16xi32>
      %gather3A_334 = tpu.vector_load_idx %arg9[%min3A_333, %broadcast_in_dim3A_54] : memref<1000x128xf32, #tpu.memory_space<vmem>>[vector<16xi32>, vector<16xi32>], vector<16xf32>,
      %add3A_335 = arith.constant 400 : i32
      %add3A_336 = arith.addi %multiple_of3A, %add3A_335 : i32
      %swap3A_337 = arith.index_cast %add3A_336 : i32 to index
      %swap3A_338 = tpu.vector_load %arg10[%swap3A_337] {strides = array<i32>} : memref<2016xf32, #tpu.memory_space<vmem>>, vector<16xf32>,
      tpu.vector_store %arg10[%swap3A_337], %gather3A_334 {strides = array<i32>} : memref<2016xf32, #tpu.memory_space<vmem>>, vector<16xf32>,
      %add3A_339 = arith.constant 416 : i32
      %add3A_340 = vector.broadcast %add3A_339 : i32 to vector<16xi32>
      %add3A_341 = arith.addi %iota3A, %add3A_340 : vector<16xi32>
      %min3A_342 = arith.constant 999 : i32
      %min3A_343 = vector.broadcast %min3A_342 : i32 to vector<16xi32>
      %min3A_344 = arith.minsi %add3A_341, %min3A_343 : vector<16xi32>
      %gather3A_345 = tpu.vector_load_idx %arg9[%min3A_344, %broadcast_in_dim3A_54] : memref<1000x128xf32, #tpu.memory_space<vmem>>[vector<16xi32>, vector<16xi32>], vector<16xf32>,
      %add3A_346 = arith.constant 416 : i32
      %add3A_347 = arith.addi %multiple_of3A, %add3A_346 : i32
      %swap3A_348 = arith.index_cast %add3A_347 : i32 to index
      %swap3A_349 = tpu.vector_load %arg10[%swap3A_348] {strides = array<i32>} : memref<2016xf32, #tpu.memory_space<vmem>>, vector<16xf32>,
      tpu.vector_store %arg10[%swap3A_348], %gather3A_345 {strides = array<i32>} : memref<2016xf32, #tpu.memory_space<vmem>>, vector<16xf32>,
      %add3A_350 = arith.constant 432 : i32
      %add3A_351 = vector.broadcast %add3A_350 : i32 to vector<16xi32>
      %add3A_352 = arith.addi %iota3A, %add3A_351 : vector<16xi32>
      %min3A_353 = arith.constant 999 : i32
      %min3A_354 = vector.broadcast %min3A_353 : i32 to vector<16xi32>
      %min3A_355 = arith.minsi %add3A_352, %min3A_354 : vector<16xi32>
      %gather3A_356 = tpu.vector_load_idx %arg9[%min3A_355, %broadcast_in_dim3A_54] : memref<1000x128xf32, #tpu.memory_space<vmem>>[vector<16xi32>, vector<16xi32>], vector<16xf32>,
      %add3A_357 = arith.constant 432 : i32
      %add3A_358 = arith.addi %multiple_of3A, %add3A_357 : i32
      %swap3A_359 = arith.index_cast %add3A_358 : i32 to index
      %swap3A_360 = tpu.vector_load %arg10[%swap3A_359] {strides = array<i32>} : memref<2016xf32, #tpu.memory_space<vmem>>, vector<16xf32>,
      tpu.vector_store %arg10[%swap3A_359], %gather3A_356 {strides = array<i32>} : memref<2016xf32, #tpu.memory_space<vmem>>, vector<16xf32>,
      %add3A_361 = arith.constant 448 : i32
      %add3A_362 = vector.broadcast %add3A_361 : i32 to vector<16xi32>
      %add3A_363 = arith.addi %iota3A, %add3A_362 : vector<16xi32>
      %min3A_364 = arith.constant 999 : i32
      %min3A_365 = vector.broadcast %min3A_364 : i32 to vector<16xi32>
      %min3A_366 = arith.minsi %add3A_363, %min3A_365 : vector<16xi32>
      %gather3A_367 = tpu.vector_load_idx %arg9[%min3A_366, %broadcast_in_dim3A_54] : memref<1000x128xf32, #tpu.memory_space<vmem>>[vector<16xi32>, vector<16xi32>], vector<16xf32>,
      %add3A_368 = arith.constant 448 : i32
      %add3A_369 = arith.addi %multiple_of3A, %add3A_368 : i32
      %swap3A_370 = arith.index_cast %add3A_369 : i32 to index
      %swap3A_371 = tpu.vector_load %arg10[%swap3A_370] {strides = array<i32>} : memref<2016xf32, #tpu.memory_space<vmem>>, vector<16xf32>,
      tpu.vector_store %arg10[%swap3A_370], %gather3A_367 {strides = array<i32>} : memref<2016xf32, #tpu.memory_space<vmem>>, vector<16xf32>,
      %add3A_372 = arith.constant 464 : i32
      %add3A_373 = vector.broadcast %add3A_372 : i32 to vector<16xi32>
      %add3A_374 = arith.addi %iota3A, %add3A_373 : vector<16xi32>
      %min3A_375 = arith.constant 999 : i32
      %min3A_376 = vector.broadcast %min3A_375 : i32 to vector<16xi32>
      %min3A_377 = arith.minsi %add3A_374, %min3A_376 : vector<16xi32>
      %gather3A_378 = tpu.vector_load_idx %arg9[%min3A_377, %broadcast_in_dim3A_54] : memref<1000x128xf32, #tpu.memory_space<vmem>>[vector<16xi32>, vector<16xi32>], vector<16xf32>,
      %add3A_379 = arith.constant 464 : i32
      %add3A_380 = arith.addi %multiple_of3A, %add3A_379 : i32
      %swap3A_381 = arith.index_cast %add3A_380 : i32 to index
      %swap3A_382 = tpu.vector_load %arg10[%swap3A_381] {strides = array<i32>} : memref<2016xf32, #tpu.memory_space<vmem>>, vector<16xf32>,
      tpu.vector_store %arg10[%swap3A_381], %gather3A_378 {strides = array<i32>} : memref<2016xf32, #tpu.memory_space<vmem>>, vector<16xf32>,
      %add3A_383 = arith.constant 480 : i32
      %add3A_384 = vector.broadcast %add3A_383 : i32 to vector<16xi32>
      %add3A_385 = arith.addi %iota3A, %add3A_384 : vector<16xi32>
      %min3A_386 = arith.constant 999 : i32
      %min3A_387 = vector.broadcast %min3A_386 : i32 to vector<16xi32>
      %min3A_388 = arith.minsi %add3A_385, %min3A_387 : vector<16xi32>
      %gather3A_389 = tpu.vector_load_idx %arg9[%min3A_388, %broadcast_in_dim3A_54] : memref<1000x128xf32, #tpu.memory_space<vmem>>[vector<16xi32>, vector<16xi32>], vector<16xf32>,
      %add3A_390 = arith.constant 480 : i32
      %add3A_391 = arith.addi %multiple_of3A, %add3A_390 : i32
      %swap3A_392 = arith.index_cast %add3A_391 : i32 to index
      %swap3A_393 = tpu.vector_load %arg10[%swap3A_392] {strides = array<i32>} : memref<2016xf32, #tpu.memory_space<vmem>>, vector<16xf32>,
      tpu.vector_store %arg10[%swap3A_392], %gather3A_389 {strides = array<i32>} : memref<2016xf32, #tpu.memory_space<vmem>>, vector<16xf32>,
      %add3A_394 = arith.constant 496 : i32
      %add3A_395 = vector.broadcast %add3A_394 : i32 to vector<16xi32>
      %add3A_396 = arith.addi %iota3A, %add3A_395 : vector<16xi32>
      %min3A_397 = arith.constant 999 : i32
      %min3A_398 = vector.broadcast %min3A_397 : i32 to vector<16xi32>
      %min3A_399 = arith.minsi %add3A_396, %min3A_398 : vector<16xi32>
      %gather3A_400 = tpu.vector_load_idx %arg9[%min3A_399, %broadcast_in_dim3A_54] : memref<1000x128xf32, #tpu.memory_space<vmem>>[vector<16xi32>, vector<16xi32>], vector<16xf32>,
      %add3A_401 = arith.constant 496 : i32
      %add3A_402 = arith.addi %multiple_of3A, %add3A_401 : i32
      %swap3A_403 = arith.index_cast %add3A_402 : i32 to index
      %swap3A_404 = tpu.vector_load %arg10[%swap3A_403] {strides = array<i32>} : memref<2016xf32, #tpu.memory_space<vmem>>, vector<16xf32>,
      tpu.vector_store %arg10[%swap3A_403], %gather3A_400 {strides = array<i32>} : memref<2016xf32, #tpu.memory_space<vmem>>, vector<16xf32>,
      %add3A_405 = arith.constant 512 : i32
      %add3A_406 = vector.broadcast %add3A_405 : i32 to vector<16xi32>
      %add3A_407 = arith.addi %iota3A, %add3A_406 : vector<16xi32>
      %min3A_408 = arith.constant 999 : i32
      %min3A_409 = vector.broadcast %min3A_408 : i32 to vector<16xi32>
      %min3A_410 = arith.minsi %add3A_407, %min3A_409 : vector<16xi32>
      %gather3A_411 = tpu.vector_load_idx %arg9[%min3A_410, %broadcast_in_dim3A_54] : memref<1000x128xf32, #tpu.memory_space<vmem>>[vector<16xi32>, vector<16xi32>], vector<16xf32>,
      %add3A_412 = arith.constant 512 : i32
      %add3A_413 = arith.addi %multiple_of3A, %add3A_412 : i32
      %swap3A_414 = arith.index_cast %add3A_413 : i32 to index
      %swap3A_415 = tpu.vector_load %arg10[%swap3A_414] {strides = array<i32>} : memref<2016xf32, #tpu.memory_space<vmem>>, vector<16xf32>,
      tpu.vector_store %arg10[%swap3A_414], %gather3A_411 {strides = array<i32>} : memref<2016xf32, #tpu.memory_space<vmem>>, vector<16xf32>,
      %add3A_416 = arith.constant 528 : i32
      %add3A_417 = vector.broadcast %add3A_416 : i32 to vector<16xi32>
      %add3A_418 = arith.addi %iota3A, %add3A_417 : vector<16xi32>
      %min3A_419 = arith.constant 999 : i32
      %min3A_420 = vector.broadcast %min3A_419 : i32 to vector<16xi32>
      %min3A_421 = arith.minsi %add3A_418, %min3A_420 : vector<16xi32>
      %gather3A_422 = tpu.vector_load_idx %arg9[%min3A_421, %broadcast_in_dim3A_54] : memref<1000x128xf32, #tpu.memory_space<vmem>>[vector<16xi32>, vector<16xi32>], vector<16xf32>,
      %add3A_423 = arith.constant 528 : i32
      %add3A_424 = arith.addi %multiple_of3A, %add3A_423 : i32
      %swap3A_425 = arith.index_cast %add3A_424 : i32 to index
      %swap3A_426 = tpu.vector_load %arg10[%swap3A_425] {strides = array<i32>} : memref<2016xf32, #tpu.memory_space<vmem>>, vector<16xf32>,
      tpu.vector_store %arg10[%swap3A_425], %gather3A_422 {strides = array<i32>} : memref<2016xf32, #tpu.memory_space<vmem>>, vector<16xf32>,
      %add3A_427 = arith.constant 544 : i32
      %add3A_428 = vector.broadcast %add3A_427 : i32 to vector<16xi32>
      %add3A_429 = arith.addi %iota3A, %add3A_428 : vector<16xi32>
      %min3A_430 = arith.constant 999 : i32
      %min3A_431 = vector.broadcast %min3A_430 : i32 to vector<16xi32>
      %min3A_432 = arith.minsi %add3A_429, %min3A_431 : vector<16xi32>
      %gather3A_433 = tpu.vector_load_idx %arg9[%min3A_432, %broadcast_in_dim3A_54] : memref<1000x128xf32, #tpu.memory_space<vmem>>[vector<16xi32>, vector<16xi32>], vector<16xf32>,
      %add3A_434 = arith.constant 544 : i32
      %add3A_435 = arith.addi %multiple_of3A, %add3A_434 : i32
      %swap3A_436 = arith.index_cast %add3A_435 : i32 to index
      %swap3A_437 = tpu.vector_load %arg10[%swap3A_436] {strides = array<i32>} : memref<2016xf32, #tpu.memory_space<vmem>>, vector<16xf32>,
      tpu.vector_store %arg10[%swap3A_436], %gather3A_433 {strides = array<i32>} : memref<2016xf32, #tpu.memory_space<vmem>>, vector<16xf32>,
      %add3A_438 = arith.constant 560 : i32
      %add3A_439 = vector.broadcast %add3A_438 : i32 to vector<16xi32>
      %add3A_440 = arith.addi %iota3A, %add3A_439 : vector<16xi32>
      %min3A_441 = arith.constant 999 : i32
      %min3A_442 = vector.broadcast %min3A_441 : i32 to vector<16xi32>
      %min3A_443 = arith.minsi %add3A_440, %min3A_442 : vector<16xi32>
      %gather3A_444 = tpu.vector_load_idx %arg9[%min3A_443, %broadcast_in_dim3A_54] : memref<1000x128xf32, #tpu.memory_space<vmem>>[vector<16xi32>, vector<16xi32>], vector<16xf32>,
      %add3A_445 = arith.constant 560 : i32
      %add3A_446 = arith.addi %multiple_of3A, %add3A_445 : i32
      %swap3A_447 = arith.index_cast %add3A_446 : i32 to index
      %swap3A_448 = tpu.vector_load %arg10[%swap3A_447] {strides = array<i32>} : memref<2016xf32, #tpu.memory_space<vmem>>, vector<16xf32>,
      tpu.vector_store %arg10[%swap3A_447], %gather3A_444 {strides = array<i32>} : memref<2016xf32, #tpu.memory_space<vmem>>, vector<16xf32>,
      %add3A_449 = arith.constant 576 : i32
      %add3A_450 = vector.broadcast %add3A_449 : i32 to vector<16xi32>
      %add3A_451 = arith.addi %iota3A, %add3A_450 : vector<16xi32>
      %min3A_452 = arith.constant 999 : i32
      %min3A_453 = vector.broadcast %min3A_452 : i32 to vector<16xi32>
      %min3A_454 = arith.minsi %add3A_451, %min3A_453 : vector<16xi32>
      %gather3A_455 = tpu.vector_load_idx %arg9[%min3A_454, %broadcast_in_dim3A_54] : memref<1000x128xf32, #tpu.memory_space<vmem>>[vector<16xi32>, vector<16xi32>], vector<16xf32>,
      %add3A_456 = arith.constant 576 : i32
      %add3A_457 = arith.addi %multiple_of3A, %add3A_456 : i32
      %swap3A_458 = arith.index_cast %add3A_457 : i32 to index
      %swap3A_459 = tpu.vector_load %arg10[%swap3A_458] {strides = array<i32>} : memref<2016xf32, #tpu.memory_space<vmem>>, vector<16xf32>,
      tpu.vector_store %arg10[%swap3A_458], %gather3A_455 {strides = array<i32>} : memref<2016xf32, #tpu.memory_space<vmem>>, vector<16xf32>,
      %add3A_460 = arith.constant 592 : i32
      %add3A_461 = vector.broadcast %add3A_460 : i32 to vector<16xi32>
      %add3A_462 = arith.addi %iota3A, %add3A_461 : vector<16xi32>
      %min3A_463 = arith.constant 999 : i32
      %min3A_464 = vector.broadcast %min3A_463 : i32 to vector<16xi32>
      %min3A_465 = arith.minsi %add3A_462, %min3A_464 : vector<16xi32>
      %gather3A_466 = tpu.vector_load_idx %arg9[%min3A_465, %broadcast_in_dim3A_54] : memref<1000x128xf32, #tpu.memory_space<vmem>>[vector<16xi32>, vector<16xi32>], vector<16xf32>,
      %add3A_467 = arith.constant 592 : i32
      %add3A_468 = arith.addi %multiple_of3A, %add3A_467 : i32
      %swap3A_469 = arith.index_cast %add3A_468 : i32 to index
      %swap3A_470 = tpu.vector_load %arg10[%swap3A_469] {strides = array<i32>} : memref<2016xf32, #tpu.memory_space<vmem>>, vector<16xf32>,
      tpu.vector_store %arg10[%swap3A_469], %gather3A_466 {strides = array<i32>} : memref<2016xf32, #tpu.memory_space<vmem>>, vector<16xf32>,
      %add3A_471 = arith.constant 608 : i32
      %add3A_472 = vector.broadcast %add3A_471 : i32 to vector<16xi32>
      %add3A_473 = arith.addi %iota3A, %add3A_472 : vector<16xi32>
      %min3A_474 = arith.constant 999 : i32
      %min3A_475 = vector.broadcast %min3A_474 : i32 to vector<16xi32>
      %min3A_476 = arith.minsi %add3A_473, %min3A_475 : vector<16xi32>
      %gather3A_477 = tpu.vector_load_idx %arg9[%min3A_476, %broadcast_in_dim3A_54] : memref<1000x128xf32, #tpu.memory_space<vmem>>[vector<16xi32>, vector<16xi32>], vector<16xf32>,
      %add3A_478 = arith.constant 608 : i32
      %add3A_479 = arith.addi %multiple_of3A, %add3A_478 : i32
      %swap3A_480 = arith.index_cast %add3A_479 : i32 to index
      %swap3A_481 = tpu.vector_load %arg10[%swap3A_480] {strides = array<i32>} : memref<2016xf32, #tpu.memory_space<vmem>>, vector<16xf32>,
      tpu.vector_store %arg10[%swap3A_480], %gather3A_477 {strides = array<i32>} : memref<2016xf32, #tpu.memory_space<vmem>>, vector<16xf32>,
      %add3A_482 = arith.constant 624 : i32
      %add3A_483 = vector.broadcast %add3A_482 : i32 to vector<16xi32>
      %add3A_484 = arith.addi %iota3A, %add3A_483 : vector<16xi32>
      %min3A_485 = arith.constant 999 : i32
      %min3A_486 = vector.broadcast %min3A_485 : i32 to vector<16xi32>
      %min3A_487 = arith.minsi %add3A_484, %min3A_486 : vector<16xi32>
      %gather3A_488 = tpu.vector_load_idx %arg9[%min3A_487, %broadcast_in_dim3A_54] : memref<1000x128xf32, #tpu.memory_space<vmem>>[vector<16xi32>, vector<16xi32>], vector<16xf32>,
      %add3A_489 = arith.constant 624 : i32
      %add3A_490 = arith.addi %multiple_of3A, %add3A_489 : i32
      %swap3A_491 = arith.index_cast %add3A_490 : i32 to index
      %swap3A_492 = tpu.vector_load %arg10[%swap3A_491] {strides = array<i32>} : memref<2016xf32, #tpu.memory_space<vmem>>, vector<16xf32>,
      tpu.vector_store %arg10[%swap3A_491], %gather3A_488 {strides = array<i32>} : memref<2016xf32, #tpu.memory_space<vmem>>, vector<16xf32>,
      %add3A_493 = arith.constant 640 : i32
      %add3A_494 = vector.broadcast %add3A_493 : i32 to vector<16xi32>
      %add3A_495 = arith.addi %iota3A, %add3A_494 : vector<16xi32>
      %min3A_496 = arith.constant 999 : i32
      %min3A_497 = vector.broadcast %min3A_496 : i32 to vector<16xi32>
      %min3A_498 = arith.minsi %add3A_495, %min3A_497 : vector<16xi32>
      %gather3A_499 = tpu.vector_load_idx %arg9[%min3A_498, %broadcast_in_dim3A_54] : memref<1000x128xf32, #tpu.memory_space<vmem>>[vector<16xi32>, vector<16xi32>], vector<16xf32>,
      %add3A_500 = arith.constant 640 : i32
      %add3A_501 = arith.addi %multiple_of3A, %add3A_500 : i32
      %swap3A_502 = arith.index_cast %add3A_501 : i32 to index
      %swap3A_503 = tpu.vector_load %arg10[%swap3A_502] {strides = array<i32>} : memref<2016xf32, #tpu.memory_space<vmem>>, vector<16xf32>,
      tpu.vector_store %arg10[%swap3A_502], %gather3A_499 {strides = array<i32>} : memref<2016xf32, #tpu.memory_space<vmem>>, vector<16xf32>,
      %add3A_504 = arith.constant 656 : i32
      %add3A_505 = vector.broadcast %add3A_504 : i32 to vector<16xi32>
      %add3A_506 = arith.addi %iota3A, %add3A_505 : vector<16xi32>
      %min3A_507 = arith.constant 999 : i32
      %min3A_508 = vector.broadcast %min3A_507 : i32 to vector<16xi32>
      %min3A_509 = arith.minsi %add3A_506, %min3A_508 : vector<16xi32>
      %gather3A_510 = tpu.vector_load_idx %arg9[%min3A_509, %broadcast_in_dim3A_54] : memref<1000x128xf32, #tpu.memory_space<vmem>>[vector<16xi32>, vector<16xi32>], vector<16xf32>,
      %add3A_511 = arith.constant 656 : i32
      %add3A_512 = arith.addi %multiple_of3A, %add3A_511 : i32
      %swap3A_513 = arith.index_cast %add3A_512 : i32 to index
      %swap3A_514 = tpu.vector_load %arg10[%swap3A_513] {strides = array<i32>} : memref<2016xf32, #tpu.memory_space<vmem>>, vector<16xf32>,
      tpu.vector_store %arg10[%swap3A_513], %gather3A_510 {strides = array<i32>} : memref<2016xf32, #tpu.memory_space<vmem>>, vector<16xf32>,
      %add3A_515 = arith.constant 672 : i32
      %add3A_516 = vector.broadcast %add3A_515 : i32 to vector<16xi32>
      %add3A_517 = arith.addi %iota3A, %add3A_516 : vector<16xi32>
      %min3A_518 = arith.constant 999 : i32
      %min3A_519 = vector.broadcast %min3A_518 : i32 to vector<16xi32>
      %min3A_520 = arith.minsi %add3A_517, %min3A_519 : vector<16xi32>
      %gather3A_521 = tpu.vector_load_idx %arg9[%min3A_520, %broadcast_in_dim3A_54] : memref<1000x128xf32, #tpu.memory_space<vmem>>[vector<16xi32>, vector<16xi32>], vector<16xf32>,
      %add3A_522 = arith.constant 672 : i32
      %add3A_523 = arith.addi %multiple_of3A, %add3A_522 : i32
      %swap3A_524 = arith.index_cast %add3A_523 : i32 to index
      %swap3A_525 = tpu.vector_load %arg10[%swap3A_524] {strides = array<i32>} : memref<2016xf32, #tpu.memory_space<vmem>>, vector<16xf32>,
      tpu.vector_store %arg10[%swap3A_524], %gather3A_521 {strides = array<i32>} : memref<2016xf32, #tpu.memory_space<vmem>>, vector<16xf32>,
      %add3A_526 = arith.constant 688 : i32
      %add3A_527 = vector.broadcast %add3A_526 : i32 to vector<16xi32>
      %add3A_528 = arith.addi %iota3A, %add3A_527 : vector<16xi32>
      %min3A_529 = arith.constant 999 : i32
      %min3A_530 = vector.broadcast %min3A_529 : i32 to vector<16xi32>
      %min3A_531 = arith.minsi %add3A_528, %min3A_530 : vector<16xi32>
      %gather3A_532 = tpu.vector_load_idx %arg9[%min3A_531, %broadcast_in_dim3A_54] : memref<1000x128xf32, #tpu.memory_space<vmem>>[vector<16xi32>, vector<16xi32>], vector<16xf32>,
      %add3A_533 = arith.constant 688 : i32
      %add3A_534 = arith.addi %multiple_of3A, %add3A_533 : i32
      %swap3A_535 = arith.index_cast %add3A_534 : i32 to index
      %swap3A_536 = tpu.vector_load %arg10[%swap3A_535] {strides = array<i32>} : memref<2016xf32, #tpu.memory_space<vmem>>, vector<16xf32>,
      tpu.vector_store %arg10[%swap3A_535], %gather3A_532 {strides = array<i32>} : memref<2016xf32, #tpu.memory_space<vmem>>, vector<16xf32>,
      %add3A_537 = arith.constant 704 : i32
      %add3A_538 = vector.broadcast %add3A_537 : i32 to vector<16xi32>
      %add3A_539 = arith.addi %iota3A, %add3A_538 : vector<16xi32>
      %min3A_540 = arith.constant 999 : i32
      %min3A_541 = vector.broadcast %min3A_540 : i32 to vector<16xi32>
      %min3A_542 = arith.minsi %add3A_539, %min3A_541 : vector<16xi32>
      %gather3A_543 = tpu.vector_load_idx %arg9[%min3A_542, %broadcast_in_dim3A_54] : memref<1000x128xf32, #tpu.memory_space<vmem>>[vector<16xi32>, vector<16xi32>], vector<16xf32>,
      %add3A_544 = arith.constant 704 : i32
      %add3A_545 = arith.addi %multiple_of3A, %add3A_544 : i32
      %swap3A_546 = arith.index_cast %add3A_545 : i32 to index
      %swap3A_547 = tpu.vector_load %arg10[%swap3A_546] {strides = array<i32>} : memref<2016xf32, #tpu.memory_space<vmem>>, vector<16xf32>,
      tpu.vector_store %arg10[%swap3A_546], %gather3A_543 {strides = array<i32>} : memref<2016xf32, #tpu.memory_space<vmem>>, vector<16xf32>,
      %add3A_548 = arith.constant 720 : i32
      %add3A_549 = vector.broadcast %add3A_548 : i32 to vector<16xi32>
      %add3A_550 = arith.addi %iota3A, %add3A_549 : vector<16xi32>
      %min3A_551 = arith.constant 999 : i32
      %min3A_552 = vector.broadcast %min3A_551 : i32 to vector<16xi32>
      %min3A_553 = arith.minsi %add3A_550, %min3A_552 : vector<16xi32>
      %gather3A_554 = tpu.vector_load_idx %arg9[%min3A_553, %broadcast_in_dim3A_54] : memref<1000x128xf32, #tpu.memory_space<vmem>>[vector<16xi32>, vector<16xi32>], vector<16xf32>,
      %add3A_555 = arith.constant 720 : i32
      %add3A_556 = arith.addi %multiple_of3A, %add3A_555 : i32
      %swap3A_557 = arith.index_cast %add3A_556 : i32 to index
      %swap3A_558 = tpu.vector_load %arg10[%swap3A_557] {strides = array<i32>} : memref<2016xf32, #tpu.memory_space<vmem>>, vector<16xf32>,
      tpu.vector_store %arg10[%swap3A_557], %gather3A_554 {strides = array<i32>} : memref<2016xf32, #tpu.memory_space<vmem>>, vector<16xf32>,
      %add3A_559 = arith.constant 736 : i32
      %add3A_560 = vector.broadcast %add3A_559 : i32 to vector<16xi32>
      %add3A_561 = arith.addi %iota3A, %add3A_560 : vector<16xi32>
      %min3A_562 = arith.constant 999 : i32
      %min3A_563 = vector.broadcast %min3A_562 : i32 to vector<16xi32>
      %min3A_564 = arith.minsi %add3A_561, %min3A_563 : vector<16xi32>
      %gather3A_565 = tpu.vector_load_idx %arg9[%min3A_564, %broadcast_in_dim3A_54] : memref<1000x128xf32, #tpu.memory_space<vmem>>[vector<16xi32>, vector<16xi32>], vector<16xf32>,
      %add3A_566 = arith.constant 736 : i32
      %add3A_567 = arith.addi %multiple_of3A, %add3A_566 : i32
      %swap3A_568 = arith.index_cast %add3A_567 : i32 to index
      %swap3A_569 = tpu.vector_load %arg10[%swap3A_568] {strides = array<i32>} : memref<2016xf32, #tpu.memory_space<vmem>>, vector<16xf32>,
      tpu.vector_store %arg10[%swap3A_568], %gather3A_565 {strides = array<i32>} : memref<2016xf32, #tpu.memory_space<vmem>>, vector<16xf32>,
      %add3A_570 = arith.constant 752 : i32
      %add3A_571 = vector.broadcast %add3A_570 : i32 to vector<16xi32>
      %add3A_572 = arith.addi %iota3A, %add3A_571 : vector<16xi32>
      %min3A_573 = arith.constant 999 : i32
      %min3A_574 = vector.broadcast %min3A_573 : i32 to vector<16xi32>
      %min3A_575 = arith.minsi %add3A_572, %min3A_574 : vector<16xi32>
      %gather3A_576 = tpu.vector_load_idx %arg9[%min3A_575, %broadcast_in_dim3A_54] : memref<1000x128xf32, #tpu.memory_space<vmem>>[vector<16xi32>, vector<16xi32>], vector<16xf32>,
      %add3A_577 = arith.constant 752 : i32
      %add3A_578 = arith.addi %multiple_of3A, %add3A_577 : i32
      %swap3A_579 = arith.index_cast %add3A_578 : i32 to index
      %swap3A_580 = tpu.vector_load %arg10[%swap3A_579] {strides = array<i32>} : memref<2016xf32, #tpu.memory_space<vmem>>, vector<16xf32>,
      tpu.vector_store %arg10[%swap3A_579], %gather3A_576 {strides = array<i32>} : memref<2016xf32, #tpu.memory_space<vmem>>, vector<16xf32>,
      %add3A_581 = arith.constant 768 : i32
      %add3A_582 = vector.broadcast %add3A_581 : i32 to vector<16xi32>
      %add3A_583 = arith.addi %iota3A, %add3A_582 : vector<16xi32>
      %min3A_584 = arith.constant 999 : i32
      %min3A_585 = vector.broadcast %min3A_584 : i32 to vector<16xi32>
      %min3A_586 = arith.minsi %add3A_583, %min3A_585 : vector<16xi32>
      %gather3A_587 = tpu.vector_load_idx %arg9[%min3A_586, %broadcast_in_dim3A_54] : memref<1000x128xf32, #tpu.memory_space<vmem>>[vector<16xi32>, vector<16xi32>], vector<16xf32>,
      %add3A_588 = arith.constant 768 : i32
      %add3A_589 = arith.addi %multiple_of3A, %add3A_588 : i32
      %swap3A_590 = arith.index_cast %add3A_589 : i32 to index
      %swap3A_591 = tpu.vector_load %arg10[%swap3A_590] {strides = array<i32>} : memref<2016xf32, #tpu.memory_space<vmem>>, vector<16xf32>,
      tpu.vector_store %arg10[%swap3A_590], %gather3A_587 {strides = array<i32>} : memref<2016xf32, #tpu.memory_space<vmem>>, vector<16xf32>,
      %add3A_592 = arith.constant 784 : i32
      %add3A_593 = vector.broadcast %add3A_592 : i32 to vector<16xi32>
      %add3A_594 = arith.addi %iota3A, %add3A_593 : vector<16xi32>
      %min3A_595 = arith.constant 999 : i32
      %min3A_596 = vector.broadcast %min3A_595 : i32 to vector<16xi32>
      %min3A_597 = arith.minsi %add3A_594, %min3A_596 : vector<16xi32>
      %gather3A_598 = tpu.vector_load_idx %arg9[%min3A_597, %broadcast_in_dim3A_54] : memref<1000x128xf32, #tpu.memory_space<vmem>>[vector<16xi32>, vector<16xi32>], vector<16xf32>,
      %add3A_599 = arith.constant 784 : i32
      %add3A_600 = arith.addi %multiple_of3A, %add3A_599 : i32
      %swap3A_601 = arith.index_cast %add3A_600 : i32 to index
      %swap3A_602 = tpu.vector_load %arg10[%swap3A_601] {strides = array<i32>} : memref<2016xf32, #tpu.memory_space<vmem>>, vector<16xf32>,
      tpu.vector_store %arg10[%swap3A_601], %gather3A_598 {strides = array<i32>} : memref<2016xf32, #tpu.memory_space<vmem>>, vector<16xf32>,
      %add3A_603 = arith.constant 800 : i32
      %add3A_604 = vector.broadcast %add3A_603 : i32 to vector<16xi32>
      %add3A_605 = arith.addi %iota3A, %add3A_604 : vector<16xi32>
      %min3A_606 = arith.constant 999 : i32
      %min3A_607 = vector.broadcast %min3A_606 : i32 to vector<16xi32>
      %min3A_608 = arith.minsi %add3A_605, %min3A_607 : vector<16xi32>
      %gather3A_609 = tpu.vector_load_idx %arg9[%min3A_608, %broadcast_in_dim3A_54] : memref<1000x128xf32, #tpu.memory_space<vmem>>[vector<16xi32>, vector<16xi32>], vector<16xf32>,
      %add3A_610 = arith.constant 800 : i32
      %add3A_611 = arith.addi %multiple_of3A, %add3A_610 : i32
      %swap3A_612 = arith.index_cast %add3A_611 : i32 to index
      %swap3A_613 = tpu.vector_load %arg10[%swap3A_612] {strides = array<i32>} : memref<2016xf32, #tpu.memory_space<vmem>>, vector<16xf32>,
      tpu.vector_store %arg10[%swap3A_612], %gather3A_609 {strides = array<i32>} : memref<2016xf32, #tpu.memory_space<vmem>>, vector<16xf32>,
      %add3A_614 = arith.constant 816 : i32
      %add3A_615 = vector.broadcast %add3A_614 : i32 to vector<16xi32>
      %add3A_616 = arith.addi %iota3A, %add3A_615 : vector<16xi32>
      %min3A_617 = arith.constant 999 : i32
      %min3A_618 = vector.broadcast %min3A_617 : i32 to vector<16xi32>
      %min3A_619 = arith.minsi %add3A_616, %min3A_618 : vector<16xi32>
      %gather3A_620 = tpu.vector_load_idx %arg9[%min3A_619, %broadcast_in_dim3A_54] : memref<1000x128xf32, #tpu.memory_space<vmem>>[vector<16xi32>, vector<16xi32>], vector<16xf32>,
      %add3A_621 = arith.constant 816 : i32
      %add3A_622 = arith.addi %multiple_of3A, %add3A_621 : i32
      %swap3A_623 = arith.index_cast %add3A_622 : i32 to index
      %swap3A_624 = tpu.vector_load %arg10[%swap3A_623] {strides = array<i32>} : memref<2016xf32, #tpu.memory_space<vmem>>, vector<16xf32>,
      tpu.vector_store %arg10[%swap3A_623], %gather3A_620 {strides = array<i32>} : memref<2016xf32, #tpu.memory_space<vmem>>, vector<16xf32>,
      %add3A_625 = arith.constant 832 : i32
      %add3A_626 = vector.broadcast %add3A_625 : i32 to vector<16xi32>
      %add3A_627 = arith.addi %iota3A, %add3A_626 : vector<16xi32>
      %min3A_628 = arith.constant 999 : i32
      %min3A_629 = vector.broadcast %min3A_628 : i32 to vector<16xi32>
      %min3A_630 = arith.minsi %add3A_627, %min3A_629 : vector<16xi32>
      %gather3A_631 = tpu.vector_load_idx %arg9[%min3A_630, %broadcast_in_dim3A_54] : memref<1000x128xf32, #tpu.memory_space<vmem>>[vector<16xi32>, vector<16xi32>], vector<16xf32>,
      %add3A_632 = arith.constant 832 : i32
      %add3A_633 = arith.addi %multiple_of3A, %add3A_632 : i32
      %swap3A_634 = arith.index_cast %add3A_633 : i32 to index
      %swap3A_635 = tpu.vector_load %arg10[%swap3A_634] {strides = array<i32>} : memref<2016xf32, #tpu.memory_space<vmem>>, vector<16xf32>,
      tpu.vector_store %arg10[%swap3A_634], %gather3A_631 {strides = array<i32>} : memref<2016xf32, #tpu.memory_space<vmem>>, vector<16xf32>,
      %add3A_636 = arith.constant 848 : i32
      %add3A_637 = vector.broadcast %add3A_636 : i32 to vector<16xi32>
      %add3A_638 = arith.addi %iota3A, %add3A_637 : vector<16xi32>
      %min3A_639 = arith.constant 999 : i32
      %min3A_640 = vector.broadcast %min3A_639 : i32 to vector<16xi32>
      %min3A_641 = arith.minsi %add3A_638, %min3A_640 : vector<16xi32>
      %gather3A_642 = tpu.vector_load_idx %arg9[%min3A_641, %broadcast_in_dim3A_54] : memref<1000x128xf32, #tpu.memory_space<vmem>>[vector<16xi32>, vector<16xi32>], vector<16xf32>,
      %add3A_643 = arith.constant 848 : i32
      %add3A_644 = arith.addi %multiple_of3A, %add3A_643 : i32
      %swap3A_645 = arith.index_cast %add3A_644 : i32 to index
      %swap3A_646 = tpu.vector_load %arg10[%swap3A_645] {strides = array<i32>} : memref<2016xf32, #tpu.memory_space<vmem>>, vector<16xf32>,
      tpu.vector_store %arg10[%swap3A_645], %gather3A_642 {strides = array<i32>} : memref<2016xf32, #tpu.memory_space<vmem>>, vector<16xf32>,
      %add3A_647 = arith.constant 864 : i32
      %add3A_648 = vector.broadcast %add3A_647 : i32 to vector<16xi32>
      %add3A_649 = arith.addi %iota3A, %add3A_648 : vector<16xi32>
      %min3A_650 = arith.constant 999 : i32
      %min3A_651 = vector.broadcast %min3A_650 : i32 to vector<16xi32>
      %min3A_652 = arith.minsi %add3A_649, %min3A_651 : vector<16xi32>
      %gather3A_653 = tpu.vector_load_idx %arg9[%min3A_652, %broadcast_in_dim3A_54] : memref<1000x128xf32, #tpu.memory_space<vmem>>[vector<16xi32>, vector<16xi32>], vector<16xf32>,
      %add3A_654 = arith.constant 864 : i32
      %add3A_655 = arith.addi %multiple_of3A, %add3A_654 : i32
      %swap3A_656 = arith.index_cast %add3A_655 : i32 to index
      %swap3A_657 = tpu.vector_load %arg10[%swap3A_656] {strides = array<i32>} : memref<2016xf32, #tpu.memory_space<vmem>>, vector<16xf32>,
      tpu.vector_store %arg10[%swap3A_656], %gather3A_653 {strides = array<i32>} : memref<2016xf32, #tpu.memory_space<vmem>>, vector<16xf32>,
      %add3A_658 = arith.constant 880 : i32
      %add3A_659 = vector.broadcast %add3A_658 : i32 to vector<16xi32>
      %add3A_660 = arith.addi %iota3A, %add3A_659 : vector<16xi32>
      %min3A_661 = arith.constant 999 : i32
      %min3A_662 = vector.broadcast %min3A_661 : i32 to vector<16xi32>
      %min3A_663 = arith.minsi %add3A_660, %min3A_662 : vector<16xi32>
      %gather3A_664 = tpu.vector_load_idx %arg9[%min3A_663, %broadcast_in_dim3A_54] : memref<1000x128xf32, #tpu.memory_space<vmem>>[vector<16xi32>, vector<16xi32>], vector<16xf32>,
      %add3A_665 = arith.constant 880 : i32
      %add3A_666 = arith.addi %multiple_of3A, %add3A_665 : i32
      %swap3A_667 = arith.index_cast %add3A_666 : i32 to index
      %swap3A_668 = tpu.vector_load %arg10[%swap3A_667] {strides = array<i32>} : memref<2016xf32, #tpu.memory_space<vmem>>, vector<16xf32>,
      tpu.vector_store %arg10[%swap3A_667], %gather3A_664 {strides = array<i32>} : memref<2016xf32, #tpu.memory_space<vmem>>, vector<16xf32>,
      %add3A_669 = arith.constant 896 : i32
      %add3A_670 = vector.broadcast %add3A_669 : i32 to vector<16xi32>
      %add3A_671 = arith.addi %iota3A, %add3A_670 : vector<16xi32>
      %min3A_672 = arith.constant 999 : i32
      %min3A_673 = vector.broadcast %min3A_672 : i32 to vector<16xi32>
      %min3A_674 = arith.minsi %add3A_671, %min3A_673 : vector<16xi32>
      %gather3A_675 = tpu.vector_load_idx %arg9[%min3A_674, %broadcast_in_dim3A_54] : memref<1000x128xf32, #tpu.memory_space<vmem>>[vector<16xi32>, vector<16xi32>], vector<16xf32>,
      %add3A_676 = arith.constant 896 : i32
      %add3A_677 = arith.addi %multiple_of3A, %add3A_676 : i32
      %swap3A_678 = arith.index_cast %add3A_677 : i32 to index
      %swap3A_679 = tpu.vector_load %arg10[%swap3A_678] {strides = array<i32>} : memref<2016xf32, #tpu.memory_space<vmem>>, vector<16xf32>,
      tpu.vector_store %arg10[%swap3A_678], %gather3A_675 {strides = array<i32>} : memref<2016xf32, #tpu.memory_space<vmem>>, vector<16xf32>,
      %add3A_680 = arith.constant 912 : i32
      %add3A_681 = vector.broadcast %add3A_680 : i32 to vector<16xi32>
      %add3A_682 = arith.addi %iota3A, %add3A_681 : vector<16xi32>
      %min3A_683 = arith.constant 999 : i32
      %min3A_684 = vector.broadcast %min3A_683 : i32 to vector<16xi32>
      %min3A_685 = arith.minsi %add3A_682, %min3A_684 : vector<16xi32>
      %gather3A_686 = tpu.vector_load_idx %arg9[%min3A_685, %broadcast_in_dim3A_54] : memref<1000x128xf32, #tpu.memory_space<vmem>>[vector<16xi32>, vector<16xi32>], vector<16xf32>,
      %add3A_687 = arith.constant 912 : i32
      %add3A_688 = arith.addi %multiple_of3A, %add3A_687 : i32
      %swap3A_689 = arith.index_cast %add3A_688 : i32 to index
      %swap3A_690 = tpu.vector_load %arg10[%swap3A_689] {strides = array<i32>} : memref<2016xf32, #tpu.memory_space<vmem>>, vector<16xf32>,
      tpu.vector_store %arg10[%swap3A_689], %gather3A_686 {strides = array<i32>} : memref<2016xf32, #tpu.memory_space<vmem>>, vector<16xf32>,
      %add3A_691 = arith.constant 928 : i32
      %add3A_692 = vector.broadcast %add3A_691 : i32 to vector<16xi32>
      %add3A_693 = arith.addi %iota3A, %add3A_692 : vector<16xi32>
      %min3A_694 = arith.constant 999 : i32
      %min3A_695 = vector.broadcast %min3A_694 : i32 to vector<16xi32>
      %min3A_696 = arith.minsi %add3A_693, %min3A_695 : vector<16xi32>
      %gather3A_697 = tpu.vector_load_idx %arg9[%min3A_696, %broadcast_in_dim3A_54] : memref<1000x128xf32, #tpu.memory_space<vmem>>[vector<16xi32>, vector<16xi32>], vector<16xf32>,
      %add3A_698 = arith.constant 928 : i32
      %add3A_699 = arith.addi %multiple_of3A, %add3A_698 : i32
      %swap3A_700 = arith.index_cast %add3A_699 : i32 to index
      %swap3A_701 = tpu.vector_load %arg10[%swap3A_700] {strides = array<i32>} : memref<2016xf32, #tpu.memory_space<vmem>>, vector<16xf32>,
      tpu.vector_store %arg10[%swap3A_700], %gather3A_697 {strides = array<i32>} : memref<2016xf32, #tpu.memory_space<vmem>>, vector<16xf32>,
      %add3A_702 = arith.constant 944 : i32
      %add3A_703 = vector.broadcast %add3A_702 : i32 to vector<16xi32>
      %add3A_704 = arith.addi %iota3A, %add3A_703 : vector<16xi32>
      %min3A_705 = arith.constant 999 : i32
      %min3A_706 = vector.broadcast %min3A_705 : i32 to vector<16xi32>
      %min3A_707 = arith.minsi %add3A_704, %min3A_706 : vector<16xi32>
      %gather3A_708 = tpu.vector_load_idx %arg9[%min3A_707, %broadcast_in_dim3A_54] : memref<1000x128xf32, #tpu.memory_space<vmem>>[vector<16xi32>, vector<16xi32>], vector<16xf32>,
      %add3A_709 = arith.constant 944 : i32
      %add3A_710 = arith.addi %multiple_of3A, %add3A_709 : i32
      %swap3A_711 = arith.index_cast %add3A_710 : i32 to index
      %swap3A_712 = tpu.vector_load %arg10[%swap3A_711] {strides = array<i32>} : memref<2016xf32, #tpu.memory_space<vmem>>, vector<16xf32>,
      tpu.vector_store %arg10[%swap3A_711], %gather3A_708 {strides = array<i32>} : memref<2016xf32, #tpu.memory_space<vmem>>, vector<16xf32>,
      %add3A_713 = arith.constant 960 : i32
      %add3A_714 = vector.broadcast %add3A_713 : i32 to vector<16xi32>
      %add3A_715 = arith.addi %iota3A, %add3A_714 : vector<16xi32>
      %min3A_716 = arith.constant 999 : i32
      %min3A_717 = vector.broadcast %min3A_716 : i32 to vector<16xi32>
      %min3A_718 = arith.minsi %add3A_715, %min3A_717 : vector<16xi32>
      %gather3A_719 = tpu.vector_load_idx %arg9[%min3A_718, %broadcast_in_dim3A_54] : memref<1000x128xf32, #tpu.memory_space<vmem>>[vector<16xi32>, vector<16xi32>], vector<16xf32>,
      %add3A_720 = arith.constant 960 : i32
      %add3A_721 = arith.addi %multiple_of3A, %add3A_720 : i32
      %swap3A_722 = arith.index_cast %add3A_721 : i32 to index
      %swap3A_723 = tpu.vector_load %arg10[%swap3A_722] {strides = array<i32>} : memref<2016xf32, #tpu.memory_space<vmem>>, vector<16xf32>,
      tpu.vector_store %arg10[%swap3A_722], %gather3A_719 {strides = array<i32>} : memref<2016xf32, #tpu.memory_space<vmem>>, vector<16xf32>,
      %add3A_724 = arith.constant 976 : i32
      %add3A_725 = vector.broadcast %add3A_724 : i32 to vector<16xi32>
      %add3A_726 = arith.addi %iota3A, %add3A_725 : vector<16xi32>
      %min3A_727 = arith.constant 999 : i32
      %min3A_728 = vector.broadcast %min3A_727 : i32 to vector<16xi32>
      %min3A_729 = arith.minsi %add3A_726, %min3A_728 : vector<16xi32>
      %gather3A_730 = tpu.vector_load_idx %arg9[%min3A_729, %broadcast_in_dim3A_54] : memref<1000x128xf32, #tpu.memory_space<vmem>>[vector<16xi32>, vector<16xi32>], vector<16xf32>,
      %add3A_731 = arith.constant 976 : i32
      %add3A_732 = arith.addi %multiple_of3A, %add3A_731 : i32
      %swap3A_733 = arith.index_cast %add3A_732 : i32 to index
      %swap3A_734 = tpu.vector_load %arg10[%swap3A_733] {strides = array<i32>} : memref<2016xf32, #tpu.memory_space<vmem>>, vector<16xf32>,
      tpu.vector_store %arg10[%swap3A_733], %gather3A_730 {strides = array<i32>} : memref<2016xf32, #tpu.memory_space<vmem>>, vector<16xf32>,
      %add3A_735 = arith.constant 992 : i32
      %add3A_736 = vector.broadcast %add3A_735 : i32 to vector<16xi32>
      %add3A_737 = arith.addi %iota3A, %add3A_736 : vector<16xi32>
      %min3A_738 = arith.constant 999 : i32
      %min3A_739 = vector.broadcast %min3A_738 : i32 to vector<16xi32>
      %min3A_740 = arith.minsi %add3A_737, %min3A_739 : vector<16xi32>
      %gather3A_741 = tpu.vector_load_idx %arg9[%min3A_740, %broadcast_in_dim3A_54] : memref<1000x128xf32, #tpu.memory_space<vmem>>[vector<16xi32>, vector<16xi32>], vector<16xf32>,
      %add3A_742 = arith.constant 992 : i32
      %add3A_743 = arith.addi %multiple_of3A, %add3A_742 : i32
      %swap3A_744 = arith.index_cast %add3A_743 : i32 to index
      %swap3A_745 = tpu.vector_load %arg10[%swap3A_744] {strides = array<i32>} : memref<2016xf32, #tpu.memory_space<vmem>>, vector<16xf32>,
      tpu.vector_store %arg10[%swap3A_744], %gather3A_741 {strides = array<i32>} : memref<2016xf32, #tpu.memory_space<vmem>>, vector<16xf32>,
      %eq3A = arith.constant 0 : i32
      %eq3A_746 = arith.cmpi eq, %and3A_47, %eq3A : i32
      %convert_element_type3A_747 = arith.extui %eq3A_746 : i1 to i32
      %cond3A_748 = arith.constant 0 : i32
      %cond3A_749 = arith.cmpi ne, %convert_element_type3A_747, %cond3A_748 : i32
      scf.if %cond3A_749 {
        %mul3A_755 = arith.constant 1000 : i32
        %mul3A_756 = arith.muli %reduce_max3A_42, %mul3A_755 : i32
        %dma_start3A = arith.constant 0 : i32
        %dma_start3A_757 = tpu.memref_slice %arg10[%dma_start3A] : memref<2016xf32, #tpu.memory_space<vmem>> -> memref<1000xf32, #tpu.memory_space<vmem>>
        %dma_start3A_758 = tpu.memref_slice %arg6[%mul3A_756] : memref<4096000xf32, #tpu.memory_space<hbm>> -> memref<1000xf32, #tpu.memory_space<hbm>>
        %dma_start3A_759 = tpu.memref_slice %arg6[%mul3A_756] : memref<4096000xf32, #tpu.memory_space<hbm>> -> memref<1000xf32, #tpu.memory_space<hbm>>
        %dma_start3A_760 = arith.constant 0 : i32
        %dma_start3A_761 = tpu.memref_slice %arg10[%dma_start3A_760] : memref<2016xf32, #tpu.memory_space<vmem>> -> memref<1000xf32, #tpu.memory_space<vmem>>
        tpu.enqueue_dma source(%dma_start3A_761 : memref<1000xf32, #tpu.memory_space<vmem>>) target(%dma_start3A_759 : memref<1000xf32, #tpu.memory_space<hbm>>) target_semaphore(%arg11 : memref<!tpu.dma_semaphore, #tpu.memory_space<semaphore_mem>>)
      } else {
      }
      %eq3A_750 = arith.constant 1 : i32
      %eq3A_751 = arith.cmpi eq, %and3A_47, %eq3A_750 : i32
      %convert_element_type3A_752 = arith.extui %eq3A_751 : i1 to i32
      %cond3A_753 = arith.constant 0 : i32
      %cond3A_754 = arith.cmpi ne, %convert_element_type3A_752, %cond3A_753 : i32
      scf.if %cond3A_754 {
        %mul3A_755 = arith.constant 1000 : i32
        %mul3A_756 = arith.muli %reduce_max3A_42, %mul3A_755 : i32
        %dma_start3A = arith.constant 1008 : i32
        %dma_start3A_757 = tpu.memref_slice %arg10[%dma_start3A] : memref<2016xf32, #tpu.memory_space<vmem>> -> memref<1000xf32, #tpu.memory_space<vmem>>
        %dma_start3A_758 = tpu.memref_slice %arg6[%mul3A_756] : memref<4096000xf32, #tpu.memory_space<hbm>> -> memref<1000xf32, #tpu.memory_space<hbm>>
        %dma_start3A_759 = tpu.memref_slice %arg6[%mul3A_756] : memref<4096000xf32, #tpu.memory_space<hbm>> -> memref<1000xf32, #tpu.memory_space<hbm>>
        %dma_start3A_760 = arith.constant 1008 : i32
        %dma_start3A_761 = tpu.memref_slice %arg10[%dma_start3A_760] : memref<2016xf32, #tpu.memory_space<vmem>> -> memref<1000xf32, #tpu.memory_space<vmem>>
        tpu.enqueue_dma source(%dma_start3A_761 : memref<1000xf32, #tpu.memory_space<vmem>>) target(%dma_start3A_759 : memref<1000xf32, #tpu.memory_space<hbm>>) target_semaphore(%arg12 : memref<!tpu.dma_semaphore, #tpu.memory_space<semaphore_mem>>)
      } else {
      }
      scf.yield %shift_right_arithmetic3A_43 : i32
    }
    %scan3A_8 = arith.constant 128 : i32
    %dma_wait3A = arith.constant 0 : i32
    %dma_wait3A_9 = tpu.memref_slice %arg10[%dma_wait3A] : memref<2016xf32, #tpu.memory_space<vmem>> -> memref<1000xf32, #tpu.memory_space<vmem>>
    %dma_wait3A_10 = arith.constant 0 : i32
    %dma_wait3A_11 = tpu.memref_slice %arg6[%dma_wait3A_10] : memref<4096000xf32, #tpu.memory_space<hbm>> -> memref<1000xf32, #tpu.memory_space<hbm>>
    %dma_wait3A_12 = arith.constant 0 : i32
    %dma_wait3A_13 = tpu.memref_slice %arg10[%dma_wait3A_12] : memref<2016xf32, #tpu.memory_space<vmem>> -> memref<1000xf32, #tpu.memory_space<vmem>>
    %dma_wait3A_14 = arith.constant 0 : i32
    %dma_wait3A_15 = tpu.memref_slice %arg6[%dma_wait3A_14] : memref<4096000xf32, #tpu.memory_space<hbm>> -> memref<1000xf32, #tpu.memory_space<hbm>>
    tpu.wait_dma2 semaphore(%arg11 : memref<!tpu.dma_semaphore, #tpu.memory_space<semaphore_mem>>) src(%dma_wait3A_15 : memref<1000xf32, #tpu.memory_space<hbm>>) dst(%dma_wait3A_13 : memref<1000xf32, #tpu.memory_space<vmem>>)
    %dma_wait3A_16 = arith.constant 1008 : i32
    %dma_wait3A_17 = tpu.memref_slice %arg10[%dma_wait3A_16] : memref<2016xf32, #tpu.memory_space<vmem>> -> memref<1000xf32, #tpu.memory_space<vmem>>
    %dma_wait3A_18 = arith.constant 0 : i32
    %dma_wait3A_19 = tpu.memref_slice %arg6[%dma_wait3A_18] : memref<4096000xf32, #tpu.memory_space<hbm>> -> memref<1000xf32, #tpu.memory_space<hbm>>
    %dma_wait3A_20 = arith.constant 1008 : i32
    %dma_wait3A_21 = tpu.memref_slice %arg10[%dma_wait3A_20] : memref<2016xf32, #tpu.memory_space<vmem>> -> memref<1000xf32, #tpu.memory_space<vmem>>
    %dma_wait3A_22 = arith.constant 0 : i32
    %dma_wait3A_23 = tpu.memref_slice %arg6[%dma_wait3A_22] : memref<4096000xf32, #tpu.memory_space<hbm>> -> memref<1000xf32, #tpu.memory_space<hbm>>
    tpu.wait_dma2 semaphore(%arg12 : memref<!tpu.dma_semaphore, #tpu.memory_space<semaphore_mem>>) src(%dma_wait3A_23 : memref<1000xf32, #tpu.memory_space<hbm>>) dst(%dma_wait3A_21 : memref<1000xf32, #tpu.memory_space<vmem>>)
    return
  }
}

</mosaic_0001>

<sc_bundles>
// kernel: gather_offload_async_start
scs
__scs_entry_jumppad:
0x0: {  	(pc) =	sbr.rel $0x88, $3  }
0x1: {  	(tag) =	ssettag $0x0;
	lr =	simm.s32 $0x1  }
0x2: {  	[smem:$0x3F9F] =	sst lr;
	_ =	strace $0xD0000000  }
0x3: {  	_ = 	snop  }
0x4: {  	_ = 	snop  }
0x5: {  	_ = 	snop  }
0x6: {  	_ = 	snop  }
0x7: {  	_ = 	snop  }
__scs_overlays_trampoline_lowered:
0x8: {  	[smem:$0x3FAE] =	sst s0  }
0x9: {  	[smem:$0x3FAF] =	sst s1  }
0xa: {  	[smem:$0x3FB0] =	sst s2  }
0xb: {  	[smem:$0x3FB1] =	sst s3  }
0xc: {  	[smem:$0x3FB2] =	sst s4  }
0xd: {  	[smem:$0x3FB3] =	sst s5  }
0xe: {  	[smem:$0x3FB4] =	sst s6  }
0xf: {  	[smem:$0x3FB5] =	sst s7  }
0x10: {  	[smem:$0x3FB6] =	sst s8  }
0x11: {  	[smem:$0x3FB7] =	sst s9;
	s0 =	simm.s32 @!p0 $0x0  }
0x12: {  	s1 =	sld [smem:$0x3F9D];
	s0 =	simm.s32 @p0 $0x1  }
0x13: {  	[smem:$0x3FB8] =	sst s0;
	s0 =	simm.s32 @!p1 $0x0  }
0x14: {  	s2 =	sld [smem:$0x3F9C];
	s0 =	simm.s32 @p1 $0x1  }
0x15: {  	[smem:$0x3FB9] =	sst s0;
	s0 =	simm.s32 @!p2 $0x0  }
0x16: {  	s3 =	sld [smem:$0x3FDB];
	s0 =	simm.s32 @p2 $0x1  }
0x17: {  	s4 =	simm.s32 $0x1BF5;
	[smem:$0x3FBB] =	sst s0  }
0x18: {  	s0 =	sld [smem:$0x3F9E];
	_ =	swait.ge [sflag:s4], $0x0  }
0x19: {  	s7 =	sld [smem:$0x3F9F]  }
0x1a: {  	s8 =	sadd.s32 $0xFFFFE003, lr  }
0x1b: {  	s9 =	sadd.s32 $0xFFFFFEF7, lr;
	s5 =	simm.s32 $0xFFFFFFFF;
	p2 =	slt.u32 s8, $0xFFFFF086  }
0x1c: {  	p1 =	slt.u32 s9, $0xF7A;
	s5 =	simm.s32 @!p2 $0x0  }
0x1d: {  	s5 =	simm.s32 @p1 $0x1;
	p0 =	seq.s32 s7, s2  }
0x1e: {  	s7 =	smul.u32 @!p0 $0xF7A, s2;
	p2 =	seq.s32 @!p0 s5, $0x0  }
0x1f: {  	s9 =	smul.u32 $0xF7A, s1;
	s8 =	simm.s32 @!p0 $0x1BF5;
	p2 =	por !p2, p0  }
0x20: {  	[sflag:s8] =	ssyncset.s32 @!p0 $0xFFFFF086;
	s6 =	sadd.s32 @!p0 s3, s7;
	s7 =	simm.s32 @!p0 $0x108  }
0x21: {  	s3 =	sadd.s32 s3, s9;
	s6 =	sadd.s32 @!p0 $0x88, s6;
	s7 =	simm.s32 @p2 $0x1082  }
0x22: {  	[simem:s7], [sflag:s8] =	dma.local @!p0 [hbm:s6], $0xF7A  }
0x23: {  	s9 =	sor.u32 $0xD0000000, s2;
	s6 =	simm.s32 $0x108;
	_ =	swait.ge @!p0 [sflag:s8], $0x0  }
0x24: {  	s3 =	sadd.s32 $0x88, s3;
	s6 =	simm.s32 @!p1 $0x1082;
	[sflag:s4] =	ssyncset.s32 $0xFFFFF086  }
0x25: {  	[simem:s6], [sflag:s4] =	dma.local [hbm:s3], $0xF7A  }
0x26: {  	[smem:$0x3F9F] =	sst s1;
	(tag) =	ssettag s2;
	_ =	strace s9  }
0x27: {  	s1 =	sld [smem:$0x3FAF]  }
0x28: {  	s2 =	sld [smem:$0x3FB0]  }
0x29: {  	s4 =	sld [smem:$0x3FB2]  }
0x2a: {  	p0 =	seq.s32 s5, $0x0;
	s5 =	sld [smem:$0x3FB3]  }
0x2b: {  	s6 =	sld [smem:$0x3FB4]  }
0x2c: {  	s7 =	sld [smem:$0x3FB5]  }
0x2d: {  	s3 =	simm.s32 $0x108;
	s8 =	sld [smem:$0x3FB6]  }
0x2e: {  	s3 =	simm.s32 @!p0 $0x1082;
	s9 =	sld [smem:$0x3FB7]  }
0x2f: {  	lr =	sadd.s32 s0, s3;
	s0 =	sld [smem:$0x3FAE]  }
0x30: {  	s3 =	sld [smem:$0x3FB1]  }
0x31: {  	[smem:$0x3FBA] =	sst s10  }
0x32: {  	s10 =	sld [smem:$0x3FB8];
	_ =	sdelay $0x3  }
0x33: {  	p0 =	seq.s32 s10, $0x1;
	s10 =	sld [smem:$0x3FBA];
	_ =	sdelay $0x3  }
0x34: {  	[smem:$0x3FBA] =	sst s10  }
0x35: {  	s10 =	sld [smem:$0x3FB9];
	_ =	sdelay $0x3  }
0x36: {  	p1 =	seq.s32 s10, $0x1;
	s10 =	sld [smem:$0x3FBA];
	_ =	sdelay $0x3  }
0x37: {  	[smem:$0x3FBA] =	sst s10  }
0x38: {  	s10 =	sld [smem:$0x3FBB]  }
0x39: {  	_ = 	snop;
	(pc) =	sbr.ind lr, $3  }
0x3a: {  	_ = 	snop  }
0x3b: {  	_ = 	snop  }
0x3c: {  	p2 =	seq.s32 s10, $0x1;
	s10 =	sld [smem:$0x3FBA]  }
0x3d: {  	_ =	shalt  }
0x3e: {  	_ =	shalt  }
0x3f: {  	_ =	shalt  }
0x40: {  	_ =	shalt  }
0x41: {  	_ =	shalt  }
0x42: {  	_ =	shalt  }
0x43: {  	_ =	shalt  }
0x44: {  	_ =	shalt  }
0x45: {  	_ =	shalt  }
0x46: {  	_ =	shalt  }
0x47: {  	_ =	shalt  }
0x48: {  	_ =	shalt  }
0x49: {  	_ =	shalt  }
0x4a: {  	_ =	shalt  }
0x4b: {  	_ =	shalt  }
0x4c: {  	_ =	shalt  }
0x4d: {  	_ =	shalt  }
0x4e: {  	_ =	shalt  }
0x4f: {  	_ =	shalt  }
0x50: {  	_ =	shalt  }
0x51: {  	_ =	shalt  }
0x52: {  	_ =	shalt  }
0x53: {  	_ =	shalt  }
0x54: {  	_ =	shalt  }
0x55: {  	_ =	shalt  }
0x56: {  	_ =	shalt  }
0x57: {  	_ =	shalt  }
0x58: {  	_ =	shalt  }
0x59: {  	_ =	shalt  }
0x5a: {  	_ =	shalt  }
0x5b: {  	_ =	shalt  }
0x5c: {  	_ =	shalt  }
0x5d: {  	_ =	shalt  }
0x5e: {  	_ =	shalt  }
0x5f: {  	_ =	shalt  }
0x60: {  	_ =	shalt  }
0x61: {  	_ =	shalt  }
0x62: {  	_ =	shalt  }
0x63: {  	_ =	shalt  }
0x64: {  	_ =	shalt  }
0x65: {  	_ =	shalt  }
0x66: {  	_ =	shalt  }
0x67: {  	_ =	shalt  }
0x68: {  	_ =	shalt  }
0x69: {  	_ =	shalt  }
0x6a: {  	_ =	shalt  }
0x6b: {  	_ =	shalt  }
0x6c: {  	_ =	shalt  }
0x6d: {  	_ =	shalt  }
0x6e: {  	_ =	shalt  }
0x6f: {  	_ =	shalt  }
0x70: {  	_ =	shalt  }
0x71: {  	_ =	shalt  }
0x72: {  	_ =	shalt  }
0x73: {  	_ =	shalt  }
0x74: {  	_ =	shalt  }
0x75: {  	_ =	shalt  }
0x76: {  	_ =	shalt  }
0x77: {  	_ =	shalt  }
0x78: {  	_ =	shalt  }
0x79: {  	_ =	shalt  }
0x7a: {  	_ =	shalt  }
0x7b: {  	_ =	shalt  }
0x7c: {  	_ =	shalt  }
0x7d: {  	_ =	shalt  }
0x7e: {  	_ =	shalt  }
0x7f: {  	_ =	shalt  }
0x80: {  	_ =	shalt  }
0x81: {  	_ =	shalt  }
0x82: {  	_ =	shalt  }
0x83: {  	_ =	shalt  }
0x84: {  	_ =	shalt  }
0x85: {  	_ =	shalt  }
0x86: {  	_ =	shalt  }
0x87: {  	_ =	shalt  }
.Lfunc_end0:
.L_simem_size_0:
called_computation_lowered:
.L_overlay_start_0:
0x88: {  	s2 =	sld [smem:$0x3FD9]  }
0x89: {  	s3 =	sld [smem:$0x3FFE];
	_ =	sdelay $0x1  }
0x8a: {  	s1 =	srdreg.scid  }
0x8b: {  	s0 =	sand.u32 $0x1, s1  }
0x8c: {  	s17 =	sshll.u32 s0, $0xA;
	s2 =	sadd.s32 s3, s2  }
0x8d: {  	s2 =	sadd.s32 s2, s17  }
0x8e: {  	[smem:$0x3FC6] =	sst s2  }
0x8f: {  	_ = 	snop  }
0x90: {  	s2 =	sld [smem:$0x3FC9]  }
0x91: {  	s18 =	sld [smem:$0x3FD0];
	(tm) =	ssettm $0x1  }
0x92: {  	s4 =	sld [smem:$0x3FFB];
	_ =	sdelay $0x3  }
0x93: {  	_ =	strace s4  }
0x94: {  	s4 =	sld [smem:$0x3FFC];
	_ =	sdelay $0x3  }
0x95: {  	_ =	strace s4  }
0x96: {  	s4 =	sld [smem:$0x3FFD];
	_ =	sdelay $0x3  }
0x97: {  	_ =	strace s4  }
0x98: {  	_ =	strace $0x8FFFFFFF  }
0x99: {  	s19 =	sld [smem:$0x3FDB];
	_ =	sdelay $0x1  }
0x9a: {  	s5 =	simm.s32 $_scs_section_size  }
0x9b: {  	s6 =	simm.s32 $_size__tile_overlayer_lowered;
	s7 =	simm.s32 $_tile_overlayer_lowered  }
0x9c: {  	s22 =	simm.s32 $0x1BFF;
	s21 =	sshll.u32 s7, $0x1;
	s4 =	sadd.s32 s5, s19  }
0x9d: {  	s8 =	simm.s32 $0x0;
	s20 =	sshll.u32 s6, $0x1;
	s6 =	sadd.s32 s21, s4  }
0x9e: {  	[timem:s8], [sflag:s22] =	dma.local [hbm:s6], s20  }
0x9f: {  	_ =	swait.ge [sflag:s22], s20  }
0xa0: {  	s5 =	ssub.s32 $0x0, s20;
	[sflag:s22] =	ssyncset.done $0x0  }
0xa1: {  	[sflag:s22] =	ssyncadd.s32 s5;
	_ =	sdelay $0x1  }
0xa2: {  	s23 =	simm.s32 $0x1B8B  }
0xa3: {  	_ =	swait.ge [sflag:s23], $0x1  }
0xa4: {  	[sflag:s23] =	ssyncset.done $0x0  }
0xa5: {  	s25 =	simm.s32 $0x1B8E;
	s24 =	sld [smem:$0x3FFE];
	[sflag:s23] =	ssyncadd.s32 $0xFFFFFFFF  }
0xa6: {  	s26 =	simm.s32 $execute0_lowered;
	[smem:$0x3FD2] =	sst s25  }
0xa7: {  	s6 =	sshll.u32 s26, $0x1;
	_ =	strace $0x80000046;
	[dreg:$0x1] =	wrdreg $0xFFFFFFFF  }
0xa8: {  	s28 =	simm.s32 $_size_execute0_lowered;
	s4 =	sadd.s32 s4, s6;
	[dreg:$0x0] =	wrdreg $0x0  }
0xa9: {  	s6 =	sshll.u32 s28, $0x1;
	[dreg:$0x2] =	wrdreg s4  }
0xaa: {  	[dreg:$0x3] =	wrdreg s6  }
0xab: {  	[dreg:$0x4] =	wrdreg $0xC0  }
0xac: {  	_ =	task [dreg:s8], $0x5FFFF  }
0xad: {  	[dreg:$0x1] =	wrdreg $0xFFFFFFFF  }
0xae: {  	[dreg:$0x0] =	wrdreg $0x60  }
0xaf: {  	[dreg:$0x2] =	wrdreg s2  }
0xb0: {  	[dreg:$0x3] =	wrdreg s18  }
0xb1: {  	[dreg:$0x4] =	wrdreg s24  }
0xb2: {  	[dreg:$0x5] =	wrdreg $0x9  }
0xb3: {  	_ =	task.clear_ibuf [dreg:s8], $0x6FFFF;
	_ =	strace $0x90000046  }
0xb4: {  	s29 =	simm.s32 $0x9;
	_ =	strace $0x80000048  }
0xb5: {  	_ =	swait.ge [sflag:s29], $0x1  }
0xb6: {  	[sflag:s29] =	ssyncadd.s32 $0xFFFFFFFF  }
0xb7: {  	_ =	strace $0x90000048  }
0xb8: {  	_ =	sfence  }
0xb9: {  	s30 =	sld [smem:$0x0];
	_ =	sdelay $0x2  }
0xba: {  	s31 =	sshll.u32 s1, $0xD;
	s1 =	sshrl.u32 s1, $0x2  }
0xbb: {  	s3 =	sand.u32 $0x4000, s31;
	s1 =	sadd.s32 s1, s30  }
0xbc: {  	s0 =	sor.u32 s3, s0;
	s1 =	sshll.u32 s1, $0x11  }
0xbd: {  	s0 =	sor.u32 s1, s0  }
0xbe: {  	s0 =	sadd.s32 $0x8F2B, s0  }
0xbf: {  	[sflag:s0] =	ssyncadd.remote.s32 $0x1  }
0xc0: {  	_ =	sfence.sel $0xFFFF  }
0xc1: {  	[dreg:$0x0] =	wrdreg $0xFFFFFFFF;
	(pc) =	sbr.abs _section_cstart, $3  }
0xc2: {  	[dreg:$0x1] =	wrdreg $0xFFFFFFFF  }
0xc3: {  	_ =	task.clear_ibuf [dreg:s8], $0x2FFFF;
	_ =	strace $0x9FFFFFFF  }
0xc4: {  	(tm) =	ssettm $0x7FFFFFFF  }
0xc5: {  	_ =	shalt  }
tec
execute0_lowered:
.L_overlay_start_1:
0x0: {  	(tag) =	ssettag $0x1  }
0x1: {  	s2 =	rddreg [dreg:$0x0]  }
0x2: {  	s1 =	srdreg.scid;
	s3 =	rddreg [dreg:$0x1]  }
0x3: {  	s0 =	stileid.u32;
	s5 =	rddreg [dreg:$0x2]  }
0x4: {  	s9 =	simm.s32 $0x1;
	s10 =	simm.s32 $0x3;
	s1 =	sshll.u32 s1, $0x6  }
0x5: {  	s13 =	simm.s32 $0x0;
	s4 =	sshll.u32 s0, $0x7;
	s6 =	sand.u32 $0x40, s1  }
0x6: {  	s12 =	simm.s32 $0x0;
	s5 =	sadd.s32 $0x200, s5;
	s4 =	sor.u32 s4, s6  }
0x7: {  	s1 =	rddreg [dreg:$0x3];
	_ =	strace $0x80000047;
	s8 =	ssub.s32 $0x1000, s4  }
.Ltmp0:
0x8: {  	s6 =	simm.s32 $0x1;
	s7 =	sand.u32 $0x7C0, s8;
	(pc) =	sbr.rel .LBB2_1-.Ltmp0, $4  }
0x9: {  	[sflag:s6] =	ssyncpa.u1 $0x0;
	s11 =	smov.u32 s4;
	p0 =	sne.s32 s7, $0x0  }
0xa: {  	s8 =	sshrl.u32 s8, $0xB;
	s7 =	simm.s32 $0x2;
	s9 =	simm.s32 @!p0 $0x0  }
0xb: {  	[sflag:s7] =	ssyncpa.u1 $0x0;
	p0 =	por $0x0, $0x0;
	s8 =	sadd.s32 s9, s8  }
0xc: {  	vm0 =	vmmov $0xffff;
	[sflag:s10] =	ssyncpa.u1 $0x0;
	s10 =	simm.s32 $0x0;
	s9 =	sadd.s32 $0x1, s8  }
.LBB2_4:
0xd: {  	v2 =	vnsel vm1, $0x0, v2  }
0xe: {  	vm1 =	vgt.s32 v0, $0x0;
	v2 =	vmin.u32 v2, $0xFFF  }
0xf: {  	v0 =	vnsel vm1, $0x0, v0  }
0x10: {  	v0 =	vmin.u32 v0, $0xFFF  }
0x11: {  	[tilespmem:s15], [sflag:$0x1] =	stream.indirect_vreg.gather [hbm4b:s2+s10], $0x1, v1, vm0, $0x4038;
	[tilespmem:$0x100] =	vst v63  }
0x12: {  	(ifvalue) =	ssetifvalue $0x7FFFFFFF  }
0x13: {  	[tilespmem:s16], [sflag:$0x1] =	stream.indirect_vreg.gather [hbm4b:s2+s10], $0x1, v2, vm0, $0x4038;
	[tilespmem:$0x100] =	vst v63  }
0x14: {  	s29 =	sadd.s32 $0x10, s16;
	(ifvalue) =	ssetifvalue $0x7FFFFFFF  }
0x15: {  	[tilespmem:s29], [sflag:$0x1] =	stream.indirect_vreg.gather [hbm4b:s2+s10], $0x1, v0, vm0, $0x4038;
	[tilespmem:$0x100] =	vst v63  }
0x16: {  	_ =	swait.ge [sflag:s6], $0x40  }
0x17: {  	s30 =	sshrl.u32 s13, $0x3;
	[sflag:s6] =	ssyncset.done $0x0  }
0x18: {  	s31 =	sand.u32 $0x7, s13;
	s15 =	sadd.s32 s5, s30;
	[sflag:s6] =	ssyncadd.s32 $0xFFFFFFC0  }
0x19: {  	[hbm4b:s15+s31] =	stream.linear.scatter [tilespmem:s14], [sflag:$0x3], $0x40, $0x38;
	[tilespmem:$0x100] =	vst v63  }
.LBB2_5:
0x1a: {  	s15 =	sadd.s32 $0x800, s11  }
0x1b: {  	p2 =	sgt.s32 s15, $0xFFF  }
0x1c: {  	s15 =	smov.u32 @p2 s4;
	p2 =	sne.s32 s12, s9  }
.Ltmp1:
0x1d: {  	p1 =	slt.u32 s12, $0x2;
	(pc) =	sbr.rel @!p2 .LBB2_6-.Ltmp1, $4  }
0x1e: {  	s14 =	simm.s32 @!p1 $0x3  }
0x1f: {  	s16 =	sadd.s32 $0x1, s12;
	_ =	swait.ge @!p1 [sflag:s14], $0x40  }
0x20: {  	s13 =	smov.u32 s11;
	p0 =	por !p0, !p0;
	[sflag:s14] =	ssyncset.done @!p1 $0x0  }
0x21: {  	s12 =	smov.u32 s16;
	s11 =	smov.u32 s15;
	[sflag:s14] =	ssyncadd.s32 @!p1 $0xFFFFFFC0  }
.LBB2_1:
0x22: {  	p1 =	sge.u32 s12, s8  }
0x23: {  	s14 =	sxor.u32 @!p1 $0xFFFFFFFF, s12  }
0x24: {  	s31 =	sadd.s32 $0xFFFFFFFF, s12;
	s15 =	sshrl.u32 @!p1 s11, $0x3;
	s14 =	sshll.u32 @!p1 s14, $0x6  }
0x25: {  	s16 =	sand.u32 @!p1 $0x7, s11;
	s15 =	sadd.s32 @!p1 s3, s15;
	s14 =	sand.u32 @!p1 $0x40, s14  }
0x26: {  	[tilespmem:s14], [sflag:$0x2] =	stream.linear.gather @!p1 [hbm4b:s15+s16], $0x40, $0x38;
	[tilespmem:$0x100] =	vst v63  }
0x27: {  	p1 =	sge.u32 s31, s8  }
.Ltmp2:
0x28: {  	_ = 	snop;
	(pc) =	sbr.rel @p1 .LBB2_5-.Ltmp2, $1  }
0x29: {  	_ =	sdelay $0x3  }
0x2a: {  	s14 =	simm.s32 $0x1  }
0x2b: {  	_ =	swait.ge [sflag:s7], $0x40;
	s14 =	simm.s32 @!p0 $0x0  }
0x2c: {  	[sflag:s7] =	ssyncset.done $0x0;
	s14 =	sshll.u32 s14, $0x6  }
0x2d: {  	[sflag:s7] =	ssyncadd.s32 $0xFFFFFFC0;
	(ifvalue) =	ssetifvalue $0x7FFFFFFF;
	v0 =	vld.msk [tilespmem:s14+$0x0 ss:$0x1], $0xffff;
	_ =	sdelay $0x4  }
0x2e: {  	s15 =	sadd.s32 $0x10, s14;
	vm1 =	vgt.s32 v0, $0x0  }
0x2f: {  	v2 =	vld.msk [tilespmem:s15+$0x0 ss:$0x1], $0xffff;
	v1 =	vnsel vm1, $0x0, v0  }
0x30: {  	v1 =	vmin.u32 v1, $0xFFF;
	_ =	sdelay $0x1  }
0x31: {  	s16 =	sshll.u32 s12, $0x6;
	s18 =	simm.s32 $0x20  }
0x32: {  	s16 =	sand.u32 $0x40, s16;
	s17 =	sadd.s32 $0x10, s15;
	s15 =	sor.u32 $0x80, s14  }
0x33: {  	s14 =	sor.u32 $0x80, s16;
	s16 =	sadd.s32 $0x10, s15;
	v0 =	vld.msk [tilespmem:s17+$0x0 ss:$0x1], $0xffff;
	vm1 =	vgt.s32 v2, $0x0;
	(ifvalue) =	ssetifvalue $0x7FFFFFFF  }
.LBB2_3:
0x34: {  	[tilespmem:s15], [sflag:$0x1] =	stream.indirect_vreg.gather [hbm4b:s2+s10], $0x1, v1, vm0, $0x4038;
	[tilespmem:$0x100] =	vst v63  }
0x35: {  	s18 =	sadd.s32 $0x10, s18  }
0x36: {  	v2 =	vnsel vm1, $0x0, v2;
	p1 =	slt.u32 s18, $0x30  }
.Ltmp3:
0x37: {  	s15 =	smov.u32 s16;
	v1 =	vmin.u32 v2, $0xFFF;
	(pc) =	sbr.rel @p1 .LBB2_3-.Ltmp3, $3  }
0x38: {  	_ =	sdelay $0x1  }
0x39: {  	s17 =	sadd.s32 $0x10, s17  }
0x3a: {  	vm1 =	vgt.s32 v0, $0x0;
	s16 =	sadd.s32 $0x10, s16;
	v2 =	vmov v0;
	(ifvalue) =	ssetifvalue $0x7FFFFFFF;
	v0 =	vld.msk [tilespmem:s17+$0x0 ss:$0x1], $0xffff  }
.Ltmp4:
0x3b: {  	_ = 	snop;
	(pc) =	sbr.rel .LBB2_4-.Ltmp4, $1  }
0x3c: {  	_ =	sdelay $0x3  }
.LBB2_6:
0x3d: {  	_ =	sfence.sel $0x180000  }
0x3e: {  	s2 =	simm.s32 $0x2;
	[bflag:$0x0] =	sbarrier.arrive $0xFFFF  }
0x3f: {  	s30 =	simm.s32 $0x3;
	[sflag:s2] =	ssyncpa.u1 $0x1  }
0x40: {  	s31 =	simm.s32 $0x1;
	[sflag:s30] =	ssyncpa.u1 $0x1  }
0x41: {  	[sflag:s31] =	ssyncpa.u1 $0x1  }
0x42: {  	p0 =	sne.s32 s0, $0x0;
	_ =	strace $0x90000047  }
0x43: {  	s0 =	sadd.s32 @!p0 $0x100000, s1;
	[bflag:$0x2] =	sbarrier.arrive $0xFFFF  }
0x44: {  	[sflag:s0] =	ssyncadd.tile.s32 @!p0 $0x1;
	_ =	shalt  }
.Lfunc_end2:
_tile_overlayer_lowered:
.L_overlay_start_2:
0x45: {  	(tag) =	ssettag $0x2  }
0x46: {  	s0 =	rddreg [dreg:$0x0];
	s2 =	stileid.u32  }
0x47: {  	s1 =	rddreg [dreg:$0x1];
	p0 =	sne.s32 s2, $0x0  }
0x48: {  	s3 =	rddreg [dreg:$0x2];
	[bflag:$0x3] =	sbarrier.arrive $0xFFFF;
	s2 =	simm.s32 @!p0 $0x1C01  }
0x49: {  	[timem:s3], [sflag:s2] =	dma.local @!p0 [hbm:s0], s1  }
0x4a: {  	s0 =	simm.s32 @!p0 $0x1  }
0x4b: {  	_ =	swait.ge @!p0 [sflag:s0], s1  }
0x4c: {  	s1 =	ssub.s32 @!p0 $0x0, s1;
	[sflag:s0] =	ssyncset.done @!p0 $0x0  }
0x4d: {  	[sflag:s0] =	ssyncadd.s32 @!p0 s1  }
0x4e: {  	[bflag:$0x3] =	sbarrier.arrive $0xFFFF  }
0x4f: {  	_ =	shalt  }

// kernel: kernel.3.cloned.1.call-start
scs
__scs_entry_jumppad:
0x0: {  	(pc) =	sbr.rel $0x88, $3  }
0x1: {  	(tag) =	ssettag $0x0;
	lr =	simm.s32 $0x1  }
0x2: {  	[smem:$0x3F9F] =	sst lr;
	_ =	strace $0xD0000000  }
0x3: {  	_ = 	snop  }
0x4: {  	_ = 	snop  }
0x5: {  	_ = 	snop  }
0x6: {  	_ = 	snop  }
0x7: {  	_ = 	snop  }
__scs_overlays_trampoline_lowered:
0x8: {  	[smem:$0x3FAE] =	sst s0  }
0x9: {  	[smem:$0x3FAF] =	sst s1  }
0xa: {  	[smem:$0x3FB0] =	sst s2  }
0xb: {  	[smem:$0x3FB1] =	sst s3  }
0xc: {  	[smem:$0x3FB2] =	sst s4  }
0xd: {  	[smem:$0x3FB3] =	sst s5  }
0xe: {  	[smem:$0x3FB4] =	sst s6  }
0xf: {  	[smem:$0x3FB5] =	sst s7  }
0x10: {  	[smem:$0x3FB6] =	sst s8  }
0x11: {  	[smem:$0x3FB7] =	sst s9;
	s0 =	simm.s32 @!p0 $0x0  }
0x12: {  	s1 =	sld [smem:$0x3F9D];
	s0 =	simm.s32 @p0 $0x1  }
0x13: {  	[smem:$0x3FB8] =	sst s0;
	s0 =	simm.s32 @!p1 $0x0  }
0x14: {  	s2 =	sld [smem:$0x3F9C];
	s0 =	simm.s32 @p1 $0x1  }
0x15: {  	[smem:$0x3FB9] =	sst s0;
	s0 =	simm.s32 @!p2 $0x0  }
0x16: {  	s3 =	sld [smem:$0x3FDB];
	s0 =	simm.s32 @p2 $0x1  }
0x17: {  	s4 =	simm.s32 $0x1BF5;
	[smem:$0x3FBB] =	sst s0  }
0x18: {  	s0 =	sld [smem:$0x3F9E];
	_ =	swait.ge [sflag:s4], $0x0  }
0x19: {  	s7 =	sld [smem:$0x3F9F]  }
0x1a: {  	s8 =	sadd.s32 $0xFFFFE003, lr  }
0x1b: {  	s9 =	sadd.s32 $0xFFFFFEF7, lr;
	s5 =	simm.s32 $0xFFFFFFFF;
	p2 =	slt.u32 s8, $0xFFFFF086  }
0x1c: {  	p1 =	slt.u32 s9, $0xF7A;
	s5 =	simm.s32 @!p2 $0x0  }
0x1d: {  	s5 =	simm.s32 @p1 $0x1;
	p0 =	seq.s32 s7, s2  }
0x1e: {  	s7 =	smul.u32 @!p0 $0xF7A, s2;
	p2 =	seq.s32 @!p0 s5, $0x0  }
0x1f: {  	s9 =	smul.u32 $0xF7A, s1;
	s8 =	simm.s32 @!p0 $0x1BF5;
	p2 =	por !p2, p0  }
0x20: {  	[sflag:s8] =	ssyncset.s32 @!p0 $0xFFFFF086;
	s6 =	sadd.s32 @!p0 s3, s7;
	s7 =	simm.s32 @!p0 $0x108  }
0x21: {  	s3 =	sadd.s32 s3, s9;
	s6 =	sadd.s32 @!p0 $0x88, s6;
	s7 =	simm.s32 @p2 $0x1082  }
0x22: {  	[simem:s7], [sflag:s8] =	dma.local @!p0 [hbm:s6], $0xF7A  }
0x23: {  	s9 =	sor.u32 $0xD0000000, s2;
	s6 =	simm.s32 $0x108;
	_ =	swait.ge @!p0 [sflag:s8], $0x0  }
0x24: {  	s3 =	sadd.s32 $0x88, s3;
	s6 =	simm.s32 @!p1 $0x1082;
	[sflag:s4] =	ssyncset.s32 $0xFFFFF086  }
0x25: {  	[simem:s6], [sflag:s4] =	dma.local [hbm:s3], $0xF7A  }
0x26: {  	[smem:$0x3F9F] =	sst s1;
	(tag) =	ssettag s2;
	_ =	strace s9  }
0x27: {  	s1 =	sld [smem:$0x3FAF]  }
0x28: {  	s2 =	sld [smem:$0x3FB0]  }
0x29: {  	s4 =	sld [smem:$0x3FB2]  }
0x2a: {  	p0 =	seq.s32 s5, $0x0;
	s5 =	sld [smem:$0x3FB3]  }
0x2b: {  	s6 =	sld [smem:$0x3FB4]  }
0x2c: {  	s7 =	sld [smem:$0x3FB5]  }
0x2d: {  	s3 =	simm.s32 $0x108;
	s8 =	sld [smem:$0x3FB6]  }
0x2e: {  	s3 =	simm.s32 @!p0 $0x1082;
	s9 =	sld [smem:$0x3FB7]  }
0x2f: {  	lr =	sadd.s32 s0, s3;
	s0 =	sld [smem:$0x3FAE]  }
0x30: {  	s3 =	sld [smem:$0x3FB1]  }
0x31: {  	[smem:$0x3FBA] =	sst s10  }
0x32: {  	s10 =	sld [smem:$0x3FB8];
	_ =	sdelay $0x3  }
0x33: {  	p0 =	seq.s32 s10, $0x1;
	s10 =	sld [smem:$0x3FBA];
	_ =	sdelay $0x3  }
0x34: {  	[smem:$0x3FBA] =	sst s10  }
0x35: {  	s10 =	sld [smem:$0x3FB9];
	_ =	sdelay $0x3  }
0x36: {  	p1 =	seq.s32 s10, $0x1;
	s10 =	sld [smem:$0x3FBA];
	_ =	sdelay $0x3  }
0x37: {  	[smem:$0x3FBA] =	sst s10  }
0x38: {  	s10 =	sld [smem:$0x3FBB]  }
0x39: {  	_ = 	snop;
	(pc) =	sbr.ind lr, $3  }
0x3a: {  	_ = 	snop  }
0x3b: {  	_ = 	snop  }
0x3c: {  	p2 =	seq.s32 s10, $0x1;
	s10 =	sld [smem:$0x3FBA]  }
0x3d: {  	_ =	shalt  }
0x3e: {  	_ =	shalt  }
0x3f: {  	_ =	shalt  }
0x40: {  	_ =	shalt  }
0x41: {  	_ =	shalt  }
0x42: {  	_ =	shalt  }
0x43: {  	_ =	shalt  }
0x44: {  	_ =	shalt  }
0x45: {  	_ =	shalt  }
0x46: {  	_ =	shalt  }
0x47: {  	_ =	shalt  }
0x48: {  	_ =	shalt  }
0x49: {  	_ =	shalt  }
0x4a: {  	_ =	shalt  }
0x4b: {  	_ =	shalt  }
0x4c: {  	_ =	shalt  }
0x4d: {  	_ =	shalt  }
0x4e: {  	_ =	shalt  }
0x4f: {  	_ =	shalt  }
0x50: {  	_ =	shalt  }
0x51: {  	_ =	shalt  }
0x52: {  	_ =	shalt  }
0x53: {  	_ =	shalt  }
0x54: {  	_ =	shalt  }
0x55: {  	_ =	shalt  }
0x56: {  	_ =	shalt  }
0x57: {  	_ =	shalt  }
0x58: {  	_ =	shalt  }
0x59: {  	_ =	shalt  }
0x5a: {  	_ =	shalt  }
0x5b: {  	_ =	shalt  }
0x5c: {  	_ =	shalt  }
0x5d: {  	_ =	shalt  }
0x5e: {  	_ =	shalt  }
0x5f: {  	_ =	shalt  }
0x60: {  	_ =	shalt  }
0x61: {  	_ =	shalt  }
0x62: {  	_ =	shalt  }
0x63: {  	_ =	shalt  }
0x64: {  	_ =	shalt  }
0x65: {  	_ =	shalt  }
0x66: {  	_ =	shalt  }
0x67: {  	_ =	shalt  }
0x68: {  	_ =	shalt  }
0x69: {  	_ =	shalt  }
0x6a: {  	_ =	shalt  }
0x6b: {  	_ =	shalt  }
0x6c: {  	_ =	shalt  }
0x6d: {  	_ =	shalt  }
0x6e: {  	_ =	shalt  }
0x6f: {  	_ =	shalt  }
0x70: {  	_ =	shalt  }
0x71: {  	_ =	shalt  }
0x72: {  	_ =	shalt  }
0x73: {  	_ =	shalt  }
0x74: {  	_ =	shalt  }
0x75: {  	_ =	shalt  }
0x76: {  	_ =	shalt  }
0x77: {  	_ =	shalt  }
0x78: {  	_ =	shalt  }
0x79: {  	_ =	shalt  }
0x7a: {  	_ =	shalt  }
0x7b: {  	_ =	shalt  }
0x7c: {  	_ =	shalt  }
0x7d: {  	_ =	shalt  }
0x7e: {  	_ =	shalt  }
0x7f: {  	_ =	shalt  }
0x80: {  	_ =	shalt  }
0x81: {  	_ =	shalt  }
0x82: {  	_ =	shalt  }
0x83: {  	_ =	shalt  }
0x84: {  	_ =	shalt  }
0x85: {  	_ =	shalt  }
0x86: {  	_ =	shalt  }
0x87: {  	_ =	shalt  }
.Lfunc_end0:
.L_simem_size_0:
called_computation.1_lowered:
.L_overlay_start_0:
0x88: {  	s2 =	sld [smem:$0x3FD9]  }
0x89: {  	s3 =	sld [smem:$0x3FFE];
	_ =	sdelay $0x1  }
0x8a: {  	s1 =	srdreg.scid  }
0x8b: {  	s0 =	sand.u32 $0x1, s1  }
0x8c: {  	s17 =	sshll.u32 s0, $0xA;
	s2 =	sadd.s32 s3, s2  }
0x8d: {  	s2 =	sadd.s32 s2, s17  }
0x8e: {  	[smem:$0x3FC6] =	sst s2  }
0x8f: {  	_ = 	snop  }
0x90: {  	s2 =	sld [smem:$0x3FC8]  }
0x91: {  	s18 =	sld [smem:$0x3FD0];
	(tm) =	ssettm $0x1  }
0x92: {  	s4 =	sld [smem:$0x3FFB];
	_ =	sdelay $0x3  }
0x93: {  	_ =	strace s4  }
0x94: {  	s4 =	sld [smem:$0x3FFC];
	_ =	sdelay $0x3  }
0x95: {  	_ =	strace s4  }
0x96: {  	s4 =	sld [smem:$0x3FFD];
	_ =	sdelay $0x3  }
0x97: {  	_ =	strace s4  }
0x98: {  	_ =	strace $0x8FFFFFFF  }
0x99: {  	s19 =	sld [smem:$0x3FDB];
	_ =	sdelay $0x1  }
0x9a: {  	s5 =	simm.s32 $_scs_section_size  }
0x9b: {  	s6 =	simm.s32 $_size__tile_overlayer_lowered;
	s7 =	simm.s32 $_tile_overlayer_lowered  }
0x9c: {  	s22 =	simm.s32 $0x1BFF;
	s21 =	sshll.u32 s7, $0x1;
	s4 =	sadd.s32 s5, s19  }
0x9d: {  	s8 =	simm.s32 $0x0;
	s20 =	sshll.u32 s6, $0x1;
	s6 =	sadd.s32 s21, s4  }
0x9e: {  	[timem:s8], [sflag:s22] =	dma.local [hbm:s6], s20  }
0x9f: {  	_ =	swait.ge [sflag:s22], s20  }
0xa0: {  	s5 =	ssub.s32 $0x0, s20;
	[sflag:s22] =	ssyncset.done $0x0  }
0xa1: {  	[sflag:s22] =	ssyncadd.s32 s5;
	_ =	sdelay $0x1  }
0xa2: {  	s23 =	simm.s32 $0x1B8B  }
0xa3: {  	_ =	swait.ge [sflag:s23], $0x1  }
0xa4: {  	[sflag:s23] =	ssyncset.done $0x0  }
0xa5: {  	s25 =	simm.s32 $0x1B8E;
	s24 =	sld [smem:$0x3FFE];
	[sflag:s23] =	ssyncadd.s32 $0xFFFFFFFF  }
0xa6: {  	s26 =	simm.s32 $execute0_lowered;
	[smem:$0x3FD2] =	sst s25  }
0xa7: {  	s6 =	sshll.u32 s26, $0x1;
	_ =	strace $0x80000049;
	[dreg:$0x1] =	wrdreg $0xFFFFFFFF  }
0xa8: {  	s28 =	simm.s32 $_size_execute0_lowered;
	s4 =	sadd.s32 s4, s6;
	[dreg:$0x0] =	wrdreg $0x0  }
0xa9: {  	s6 =	sshll.u32 s28, $0x1;
	[dreg:$0x2] =	wrdreg s4  }
0xaa: {  	[dreg:$0x3] =	wrdreg s6  }
0xab: {  	[dreg:$0x4] =	wrdreg $0xC0  }
0xac: {  	_ =	task [dreg:s8], $0x5FFFF  }
0xad: {  	[dreg:$0x1] =	wrdreg $0xFFFFFFFF  }
0xae: {  	[dreg:$0x0] =	wrdreg $0x60  }
0xaf: {  	[dreg:$0x2] =	wrdreg s24  }
0xb0: {  	[dreg:$0x3] =	wrdreg s2  }
0xb1: {  	[dreg:$0x4] =	wrdreg s18  }
0xb2: {  	[dreg:$0x5] =	wrdreg $0x9  }
0xb3: {  	_ =	task.clear_ibuf [dreg:s8], $0x6FFFF;
	_ =	strace $0x90000049  }
0xb4: {  	s29 =	simm.s32 $0x9;
	_ =	strace $0x8000004B  }
0xb5: {  	_ =	swait.ge [sflag:s29], $0x1  }
0xb6: {  	[sflag:s29] =	ssyncadd.s32 $0xFFFFFFFF  }
0xb7: {  	_ =	strace $0x9000004B  }
0xb8: {  	_ =	sfence  }
0xb9: {  	s30 =	sld [smem:$0x0];
	_ =	sdelay $0x2  }
0xba: {  	s31 =	sshll.u32 s1, $0xD;
	s1 =	sshrl.u32 s1, $0x2  }
0xbb: {  	s3 =	sand.u32 $0x4000, s31;
	s1 =	sadd.s32 s1, s30  }
0xbc: {  	s0 =	sor.u32 s3, s0;
	s1 =	sshll.u32 s1, $0x11  }
0xbd: {  	s0 =	sor.u32 s1, s0  }
0xbe: {  	s0 =	sadd.s32 $0x8F2B, s0  }
0xbf: {  	[sflag:s0] =	ssyncadd.remote.s32 $0x1  }
0xc0: {  	_ =	sfence.sel $0xFFFF  }
0xc1: {  	[dreg:$0x0] =	wrdreg $0xFFFFFFFF;
	(pc) =	sbr.abs _section_cstart, $3  }
0xc2: {  	[dreg:$0x1] =	wrdreg $0xFFFFFFFF  }
0xc3: {  	_ =	task.clear_ibuf [dreg:s8], $0x2FFFF;
	_ =	strace $0x9FFFFFFF  }
0xc4: {  	(tm) =	ssettm $0x7FFFFFFF  }
0xc5: {  	_ =	shalt  }
tec
execute0_lowered:
.L_overlay_start_1:
0x0: {  	(tag) =	ssettag $0x1  }
0x1: {  	v0 =	vlaneseq.u32;
	v55 =	vimm.s32 $0x1F380;
	vm0 =	vcmask $0x300  }
0x2: {  	vm10 =	vcmask $0x704;
	vm11 =	vcmask $0xB08;
	vm12 =	vcmask $0xF0C  }
0x3: {  	vm13 =	vcmask $0x1310;
	v0 =	vmul.u32 $0x80, v0;
	v56 =	vsel vm0, $0x1F000, v55  }
0x4: {  	vm14 =	vcmask $0x1714;
	vm15 =	vcmask $0x1B18;
	v57 =	vsel vm10, $0x1F080, v56  }
0x5: {  	v1 =	vor.u32 $0x800, v0;
	v2 =	vor.u32 $0x1000, v0;
	v3 =	vor.u32 $0x1800, v0  }
0x6: {  	v4 =	vor.u32 $0x2000, v0;
	v5 =	vor.u32 $0x2800, v0;
	v6 =	vor.u32 $0x3000, v0  }
0x7: {  	v7 =	vor.u32 $0x3800, v0;
	v8 =	vor.u32 $0x4000, v0;
	v9 =	vor.u32 $0x4800, v0  }
0x8: {  	v10 =	vor.u32 $0x5000, v0;
	v11 =	vor.u32 $0x5800, v0;
	v12 =	vor.u32 $0x6000, v0  }
0x9: {  	v13 =	vor.u32 $0x6800, v0;
	v14 =	vor.u32 $0x7000, v0;
	v15 =	vor.u32 $0x7800, v0  }
0xa: {  	v16 =	vor.u32 $0x8000, v0;
	v17 =	vor.u32 $0x8800, v0;
	v18 =	vor.u32 $0x9000, v0  }
0xb: {  	v19 =	vor.u32 $0x9800, v0;
	v20 =	vor.u32 $0xA000, v0;
	v21 =	vor.u32 $0xA800, v0  }
0xc: {  	v22 =	vor.u32 $0xB000, v0;
	v23 =	vor.u32 $0xB800, v0;
	v24 =	vor.u32 $0xC000, v0  }
0xd: {  	v25 =	vor.u32 $0xC800, v0;
	v26 =	vor.u32 $0xD000, v0;
	v27 =	vor.u32 $0xD800, v0  }
0xe: {  	v28 =	vor.u32 $0xE000, v0;
	v29 =	vor.u32 $0xE800, v0;
	v30 =	vor.u32 $0xF000, v0  }
0xf: {  	v31 =	vor.u32 $0xF800, v0;
	v32 =	vor.u32 $0x10000, v0;
	v33 =	vor.u32 $0x10800, v0  }
0x10: {  	s6 =	rddreg [dreg:$0x0];
	v34 =	vor.u32 $0x11000, v0;
	v35 =	vor.u32 $0x11800, v0;
	v36 =	vor.u32 $0x12000, v0  }
0x11: {  	s0 =	rddreg [dreg:$0x1];
	v37 =	vor.u32 $0x12800, v0;
	v38 =	vor.u32 $0x13000, v0;
	v39 =	vor.u32 $0x13800, v0  }
0x12: {  	s2 =	rddreg [dreg:$0x2];
	v40 =	vor.u32 $0x14000, v0;
	v41 =	vor.u32 $0x14800, v0;
	v42 =	vor.u32 $0x15000, v0  }
0x13: {  	s1 =	rddreg [dreg:$0x3];
	s3 =	simm.s32 $0x0;
	s5 =	srdreg.scid;
	v43 =	vor.u32 $0x15800, v0;
	v44 =	vor.u32 $0x16000, v0;
	v45 =	vor.u32 $0x16800, v0  }
0x14: {  	s4 =	stileid.u32;
	s10 =	simm.s32 $0x80;
	s11 =	simm.s32 $0x100;
	v46 =	vor.u32 $0x17000, v0;
	v47 =	vor.u32 $0x17800, v0;
	v48 =	vor.u32 $0x18000, v0  }
0x15: {  	s12 =	simm.s32 $0x1;
	s13 =	simm.s32 $0x2;
	s14 =	simm.s32 $0x1F8F0;
	v49 =	vor.u32 $0x18800, v0;
	v50 =	vor.u32 $0x19000, v0;
	v51 =	vor.u32 $0x19800, v0  }
0x16: {  	s15 =	simm.s32 $0x0;
	[smem:$0x7FF] =	sst s3;
	s5 =	sand.u32 $0x1, s5;
	v52 =	vor.u32 $0x1A000, v0;
	v53 =	vor.u32 $0x1A800, v0;
	v58 =	vsel vm11, $0x1F100, v57  }
0x17: {  	s8 =	sshll.u32 s4, $0x5;
	s7 =	ssub.s32 $0x2, s5;
	s5 =	sshll.u32 s5, $0x4;
	v54 =	vor.u32 $0x1B000, v0;
	v55 =	vor.u32 $0x1B800, v0;
	v59 =	vsel vm12, $0x1F180, v58  }
0x18: {  	s9 =	sshrl.u32 s7, $0x1;
	s8 =	sor.u32 s5, s8;
	v56 =	vor.u32 $0x1C000, v0;
	s5 =	sadd.s32 $0x400, s6;
	v57 =	vor.u32 $0x1C800, v0;
	[tilespmem:$0x1FFF0] =	vst v1;
	v60 =	vsel vm13, $0x1F200, v59  }
0x19: {  	v61 =	vor.u32 $0x1E800, v0;
	s9 =	ssub.s32 s7, s9;
	s6 =	sadd.s32 s6, s8;
	v58 =	vor.u32 $0x1D000, v0;
	_ =	strace $0x8000004A;
	v62 =	vsel vm14, $0x1F280, v60  }
0x1a: {  	s7 =	sadd.s32 $0x4400, s6;
	s8 =	smax.u32 s9, $0x1;
	s9 =	simm.s32 $0x3;
	v59 =	vor.u32 $0x1D800, v0;
	v60 =	vor.u32 $0x1E000, v0;
	v62 =	vsel vm15, $0x1F300, v62  }
.LBB2_1:
0x1b: {  	[tilespmem:s3], [sflag:$0x3] =	stream.linear.gather [hbm4b:s7+s3], $0x80, $0x38;
	[tilespmem:$0x1FD00] =	vst v63  }
0x1c: {  	_ =	swait.ge [sflag:s9], $0x80  }
0x1d: {  	[sflag:s9] =	ssyncset.done $0x0  }
0x1e: {  	[sflag:s9] =	ssyncadd.s32 $0xFFFFFF80  }
0x1f: {  	[tilespmem:s10], [sflag:$0x3] =	stream.linear.gather [hbm4b:s6+s3], $0x80, $0x38;
	[tilespmem:$0x1FD00] =	vst v63  }
0x20: {  	_ =	swait.ge [sflag:s9], $0x80  }
0x21: {  	[sflag:s9] =	ssyncset.done $0x0  }
0x22: {  	s17 =	simm.s32 $0xFFFFFFFF;
	s16 =	simm.s32 $0x0;
	[sflag:s9] =	ssyncadd.s32 $0xFFFFFF80  }
.LBB2_2:
0x23: {  	v63 =	vmov s16;
	_ =	sdelay $0x4  }
0x24: {  	v1 =	vld.idx.msk [tilespmem:v63+s3+$0x0], $0xffff;
	_ =	sdelay $0x4  }
0x25: {  	v1 =	vxor.u32 $0x80000000, v1  }
0x26: {  	(xrf0) =	vmax.scan.msk.u32 $0xffff, v1;
	_ =	sdelay $0x2  }
0x27: {  	v1 =	vld.idx.msk [tilespmem:v63+s10+$0x0], $0xffff;
	_ =	sdelay $0x2  }
0x28: {  	v63, _, _ =	vpop (xrf0)  }
0x29: {  	(v2sf) =	vpush v63, $0xF  }
0x2a: {  	v1 =	vxor.u32 $0x80000000, v1  }
0x2b: {  	(xrf0) =	vmax.scan.msk.u32 $0xffff, v1;
	_ =	sdelay $0x5  }
0x2c: {  	v1, _, _ =	vpop (xrf0)  }
0x2d: {  	(v2sf) =	vpush v1, $0xF;
	_ =	sdelay $0x5  }
0x2e: {  	s18 =	spop (v2sf)  }
0x2f: {  	s20 =	sshra.s32 s18, $0x7  }
0x30: {  	s19 =	smov.u32 s17;
	s17 =	sxor.u32 $0xFF000000, s20  }
0x31: {  	p1 =	seq.s32 s17, s19  }
0x32: {  	p0 =	seq.s32 @!p1 s20, $0xFF00030D  }
0x33: {  	p2 =	por !p0, p1  }
0x34: {  	p0 =	por p0, p1;
	s19 =	simm.s32 @!p2 $0x0;
	s20 =	simm.s32 @!p2 $0x100  }
0x35: {  	[tilespmem:s20], [sflag:$0x3] =	stream.linear.gather @!p2 [hbm4b:s5+s19], $0x1F400, $0x38;
	[tilespmem:$0x1FD00] =	vst v63  }
0x36: {  	s21 =	simm.s32 @!p0 $0x400;
	s22 =	simm.s32 @!p0 $0xC3800;
	s20 =	sand.u32 @!p0 $0x1FFFFF80, s18  }
0x37: {  	s23 =	simm.s32 @!p0 $0x100;
	s19 =	spop (v2sf);
	s20 =	sadd.s32 @!p0 s0, s20  }
0x38: {  	[tilespmem:s23], [sflag:$0x3] =	stream.strided.gather @!p0 [hbm4b:s20+s21], $0x1F400, s22, s21, $0x38;
	[tilespmem:$0x1FD00] =	vst v63  }
0x39: {  	s20 =	sand.u32 $0x7F, s18;
	s21 =	simm.s32 @!p1 $0x3;
	s18 =	sand.u32 $0x1, s16  }
0x3a: {  	p2 =	slt.u32 s16, $0x2;
	_ =	swait.ge @!p1 [sflag:s21], $0x1F400;
	p0 =	seq.s32 s18, $0x1  }
0x3b: {  	s22 =	simm.s32 @!p2 $0x2;
	[sflag:s21] =	ssyncset.done @!p1 $0x0;
	p3 =	por !p0, p2  }
0x3c: {  	[sflag:s21] =	ssyncadd.s32 @!p1 $0xFFFE0C00;
	s22 =	simm.s32 @p3 $0x1  }
0x3d: {  	v1 =	vor.u32 s20, v0;
	_ =	swait.ge @!p2 [sflag:s22], $0x3E8  }
0x3e: {  	v63 =	vld [tilespmem:$0x1FFF0];
	_ =	sdelay $0x1  }
0x3f: {  	[sflag:s22] =	ssyncset.done @!p2 $0x0  }
0x40: {  	[sflag:s22] =	ssyncadd.s32 @!p2 $0xFFFFFC18  }
0x41: {  	v1 =	vld.idx.msk [tilespmem:v1+s11+$0x0], $0xffff  }
0x42: {  	v63 =	vor.u32 s20, v63;
	_ =	sdelay $0x1  }
0x43: {  	s21 =	smul.u32 $0x3F0, s18;
	_ =	sdelay $0x1  }
0x44: {  	[tilespmem:s21+$0x1F500] =	vst v1  }
0x45: {  	v1 =	vld.idx.msk [tilespmem:v63+s11+$0x0], $0xffff  }
0x46: {  	v63 =	vor.u32 s20, v2;
	_ =	sdelay $0x3  }
0x47: {  	[tilespmem:s21+$0x1F510] =	vst v1  }
0x48: {  	v1 =	vld.idx.msk [tilespmem:v63+s11+$0x0], $0xffff  }
0x49: {  	v63 =	vor.u32 s20, v3;
	_ =	sdelay $0x3  }
0x4a: {  	[tilespmem:s21+$0x1F520] =	vst v1  }
0x4b: {  	v1 =	vld.idx.msk [tilespmem:v63+s11+$0x0], $0xffff  }
0x4c: {  	v63 =	vor.u32 s20, v4;
	_ =	sdelay $0x3  }
0x4d: {  	[tilespmem:s21+$0x1F530] =	vst v1  }
0x4e: {  	v1 =	vld.idx.msk [tilespmem:v63+s11+$0x0], $0xffff  }
0x4f: {  	v63 =	vor.u32 s20, v5;
	_ =	sdelay $0x3  }
0x50: {  	[tilespmem:s21+$0x1F540] =	vst v1  }
0x51: {  	v1 =	vld.idx.msk [tilespmem:v63+s11+$0x0], $0xffff  }
0x52: {  	v63 =	vor.u32 s20, v6;
	_ =	sdelay $0x3  }
0x53: {  	[tilespmem:s21+$0x1F550] =	vst v1  }
0x54: {  	v1 =	vld.idx.msk [tilespmem:v63+s11+$0x0], $0xffff  }
0x55: {  	v63 =	vor.u32 s20, v7;
	_ =	sdelay $0x3  }
0x56: {  	[tilespmem:s21+$0x1F560] =	vst v1  }
0x57: {  	v1 =	vld.idx.msk [tilespmem:v63+s11+$0x0], $0xffff  }
0x58: {  	v63 =	vor.u32 s20, v8;
	_ =	sdelay $0x3  }
0x59: {  	[tilespmem:s21+$0x1F570] =	vst v1  }
0x5a: {  	v1 =	vld.idx.msk [tilespmem:v63+s11+$0x0], $0xffff  }
0x5b: {  	v63 =	vor.u32 s20, v9  }
0x5c: {  	s31 =	sadd.s32 $0x80, s21  }
0x5d: {  	s24 =	sand.u32 $0x70, s21;
	s22 =	sand.u32 $0x780, s31  }
0x5e: {  	s23 =	sor.u32 s24, s22  }
0x5f: {  	[tilespmem:s23+$0x1F500] =	vst v1  }
0x60: {  	v1 =	vld.idx.msk [tilespmem:v63+s11+$0x0], $0xffff  }
0x61: {  	v63 =	vor.u32 s20, v10;
	_ =	sdelay $0x3  }
0x62: {  	[tilespmem:s21+$0x1F590] =	vst v1  }
0x63: {  	v1 =	vld.idx.msk [tilespmem:v63+s11+$0x0], $0xffff  }
0x64: {  	v63 =	vor.u32 s20, v11;
	_ =	sdelay $0x3  }
0x65: {  	[tilespmem:s21+$0x1F5A0] =	vst v1  }
0x66: {  	v1 =	vld.idx.msk [tilespmem:v63+s11+$0x0], $0xffff  }
0x67: {  	v63 =	vor.u32 s20, v12;
	_ =	sdelay $0x3  }
0x68: {  	[tilespmem:s21+$0x1F5B0] =	vst v1  }
0x69: {  	v1 =	vld.idx.msk [tilespmem:v63+s11+$0x0], $0xffff  }
0x6a: {  	v63 =	vor.u32 s20, v13;
	_ =	sdelay $0x3  }
0x6b: {  	[tilespmem:s21+$0x1F5C0] =	vst v1  }
0x6c: {  	v1 =	vld.idx.msk [tilespmem:v63+s11+$0x0], $0xffff  }
0x6d: {  	v63 =	vor.u32 s20, v14;
	_ =	sdelay $0x3  }
0x6e: {  	[tilespmem:s21+$0x1F5D0] =	vst v1  }
0x6f: {  	v1 =	vld.idx.msk [tilespmem:v63+s11+$0x0], $0xffff  }
0x70: {  	v63 =	vor.u32 s20, v15;
	_ =	sdelay $0x3  }
0x71: {  	[tilespmem:s21+$0x1F5E0] =	vst v1  }
0x72: {  	v1 =	vld.idx.msk [tilespmem:v63+s11+$0x0], $0xffff  }
0x73: {  	v63 =	vor.u32 s20, v16;
	_ =	sdelay $0x3  }
0x74: {  	[tilespmem:s21+$0x1F5F0] =	vst v1  }
0x75: {  	v1 =	vld.idx.msk [tilespmem:v63+s11+$0x0], $0xffff  }
0x76: {  	v63 =	vor.u32 s20, v17  }
0x77: {  	s25 =	sadd.s32 $0x100, s21  }
0x78: {  	s23 =	sand.u32 $0x780, s25  }
0x79: {  	s23 =	sor.u32 s24, s23  }
0x7a: {  	[tilespmem:s23+$0x1F500] =	vst v1  }
0x7b: {  	v1 =	vld.idx.msk [tilespmem:v63+s11+$0x0], $0xffff  }
0x7c: {  	v63 =	vor.u32 s20, v18;
	_ =	sdelay $0x3  }
0x7d: {  	[tilespmem:s21+$0x1F610] =	vst v1  }
0x7e: {  	v1 =	vld.idx.msk [tilespmem:v63+s11+$0x0], $0xffff  }
0x7f: {  	v63 =	vor.u32 s20, v19;
	_ =	sdelay $0x3  }
0x80: {  	[tilespmem:s21+$0x1F620] =	vst v1  }
0x81: {  	v1 =	vld.idx.msk [tilespmem:v63+s11+$0x0], $0xffff  }
0x82: {  	v63 =	vor.u32 s20, v20;
	_ =	sdelay $0x3  }
0x83: {  	[tilespmem:s21+$0x1F630] =	vst v1  }
0x84: {  	v1 =	vld.idx.msk [tilespmem:v63+s11+$0x0], $0xffff  }
0x85: {  	v63 =	vor.u32 s20, v21;
	_ =	sdelay $0x3  }
0x86: {  	[tilespmem:s21+$0x1F640] =	vst v1  }
0x87: {  	v1 =	vld.idx.msk [tilespmem:v63+s11+$0x0], $0xffff  }
0x88: {  	v63 =	vor.u32 s20, v22;
	_ =	sdelay $0x3  }
0x89: {  	[tilespmem:s21+$0x1F650] =	vst v1  }
0x8a: {  	v1 =	vld.idx.msk [tilespmem:v63+s11+$0x0], $0xffff  }
0x8b: {  	v63 =	vor.u32 s20, v23;
	_ =	sdelay $0x3  }
0x8c: {  	[tilespmem:s21+$0x1F660] =	vst v1  }
0x8d: {  	v1 =	vld.idx.msk [tilespmem:v63+s11+$0x0], $0xffff  }
0x8e: {  	v63 =	vor.u32 s20, v24;
	_ =	sdelay $0x3  }
0x8f: {  	[tilespmem:s21+$0x1F670] =	vst v1  }
0x90: {  	v1 =	vld.idx.msk [tilespmem:v63+s11+$0x0], $0xffff  }
0x91: {  	v63 =	vor.u32 s20, v25  }
0x92: {  	s26 =	sadd.s32 $0x180, s21  }
0x93: {  	s23 =	sand.u32 $0x780, s26  }
0x94: {  	s23 =	sor.u32 s24, s23  }
0x95: {  	[tilespmem:s23+$0x1F500] =	vst v1  }
0x96: {  	v1 =	vld.idx.msk [tilespmem:v63+s11+$0x0], $0xffff  }
0x97: {  	v63 =	vor.u32 s20, v26;
	_ =	sdelay $0x3  }
0x98: {  	[tilespmem:s21+$0x1F690] =	vst v1  }
0x99: {  	v1 =	vld.idx.msk [tilespmem:v63+s11+$0x0], $0xffff  }
0x9a: {  	v63 =	vor.u32 s20, v27;
	_ =	sdelay $0x3  }
0x9b: {  	[tilespmem:s21+$0x1F6A0] =	vst v1  }
0x9c: {  	v1 =	vld.idx.msk [tilespmem:v63+s11+$0x0], $0xffff  }
0x9d: {  	v63 =	vor.u32 s20, v28;
	_ =	sdelay $0x3  }
0x9e: {  	[tilespmem:s21+$0x1F6B0] =	vst v1  }
0x9f: {  	v1 =	vld.idx.msk [tilespmem:v63+s11+$0x0], $0xffff  }
0xa0: {  	v63 =	vor.u32 s20, v29;
	_ =	sdelay $0x3  }
0xa1: {  	[tilespmem:s21+$0x1F6C0] =	vst v1  }
0xa2: {  	v1 =	vld.idx.msk [tilespmem:v63+s11+$0x0], $0xffff  }
0xa3: {  	v63 =	vor.u32 s20, v30;
	_ =	sdelay $0x3  }
0xa4: {  	[tilespmem:s21+$0x1F6D0] =	vst v1  }
0xa5: {  	v1 =	vld.idx.msk [tilespmem:v63+s11+$0x0], $0xffff  }
0xa6: {  	v63 =	vor.u32 s20, v31;
	_ =	sdelay $0x3  }
0xa7: {  	[tilespmem:s21+$0x1F6E0] =	vst v1  }
0xa8: {  	v1 =	vld.idx.msk [tilespmem:v63+s11+$0x0], $0xffff  }
0xa9: {  	v63 =	vor.u32 s20, v32;
	_ =	sdelay $0x3  }
0xaa: {  	[tilespmem:s21+$0x1F6F0] =	vst v1  }
0xab: {  	v1 =	vld.idx.msk [tilespmem:v63+s11+$0x0], $0xffff  }
0xac: {  	v63 =	vor.u32 s20, v33  }
0xad: {  	s28 =	sadd.s32 $0x200, s21  }
0xae: {  	s23 =	sand.u32 $0x780, s28  }
0xaf: {  	s23 =	sor.u32 s24, s23  }
0xb0: {  	[tilespmem:s23+$0x1F500] =	vst v1  }
0xb1: {  	v1 =	vld.idx.msk [tilespmem:v63+s11+$0x0], $0xffff  }
0xb2: {  	v63 =	vor.u32 s20, v34;
	_ =	sdelay $0x3  }
0xb3: {  	[tilespmem:s21+$0x1F710] =	vst v1  }
0xb4: {  	v1 =	vld.idx.msk [tilespmem:v63+s11+$0x0], $0xffff  }
0xb5: {  	v63 =	vor.u32 s20, v35;
	_ =	sdelay $0x3  }
0xb6: {  	[tilespmem:s21+$0x1F720] =	vst v1  }
0xb7: {  	v1 =	vld.idx.msk [tilespmem:v63+s11+$0x0], $0xffff  }
0xb8: {  	v63 =	vor.u32 s20, v36;
	_ =	sdelay $0x3  }
0xb9: {  	[tilespmem:s21+$0x1F730] =	vst v1  }
0xba: {  	v1 =	vld.idx.msk [tilespmem:v63+s11+$0x0], $0xffff  }
0xbb: {  	v63 =	vor.u32 s20, v37;
	_ =	sdelay $0x3  }
0xbc: {  	[tilespmem:s21+$0x1F740] =	vst v1  }
0xbd: {  	v1 =	vld.idx.msk [tilespmem:v63+s11+$0x0], $0xffff  }
0xbe: {  	v63 =	vor.u32 s20, v38;
	_ =	sdelay $0x3  }
0xbf: {  	[tilespmem:s21+$0x1F750] =	vst v1  }
0xc0: {  	v1 =	vld.idx.msk [tilespmem:v63+s11+$0x0], $0xffff  }
0xc1: {  	v63 =	vor.u32 s20, v39;
	_ =	sdelay $0x3  }
0xc2: {  	[tilespmem:s21+$0x1F760] =	vst v1  }
0xc3: {  	v1 =	vld.idx.msk [tilespmem:v63+s11+$0x0], $0xffff  }
0xc4: {  	v63 =	vor.u32 s20, v40;
	_ =	sdelay $0x3  }
0xc5: {  	[tilespmem:s21+$0x1F770] =	vst v1  }
0xc6: {  	v1 =	vld.idx.msk [tilespmem:v63+s11+$0x0], $0xffff  }
0xc7: {  	v63 =	vor.u32 s20, v41  }
0xc8: {  	s29 =	sadd.s32 $0x280, s21  }
0xc9: {  	s23 =	sand.u32 $0x780, s29  }
0xca: {  	s23 =	sor.u32 s24, s23  }
0xcb: {  	[tilespmem:s23+$0x1F500] =	vst v1  }
0xcc: {  	v1 =	vld.idx.msk [tilespmem:v63+s11+$0x0], $0xffff  }
0xcd: {  	v63 =	vor.u32 s20, v42;
	_ =	sdelay $0x3  }
0xce: {  	[tilespmem:s21+$0x1F790] =	vst v1  }
0xcf: {  	v1 =	vld.idx.msk [tilespmem:v63+s11+$0x0], $0xffff  }
0xd0: {  	v63 =	vor.u32 s20, v43;
	_ =	sdelay $0x3  }
0xd1: {  	[tilespmem:s21+$0x1F7A0] =	vst v1  }
0xd2: {  	v1 =	vld.idx.msk [tilespmem:v63+s11+$0x0], $0xffff  }
0xd3: {  	v63 =	vor.u32 s20, v44;
	_ =	sdelay $0x3  }
0xd4: {  	[tilespmem:s21+$0x1F7B0] =	vst v1  }
0xd5: {  	v1 =	vld.idx.msk [tilespmem:v63+s11+$0x0], $0xffff  }
0xd6: {  	v63 =	vor.u32 s20, v45;
	_ =	sdelay $0x3  }
0xd7: {  	[tilespmem:s21+$0x1F7C0] =	vst v1  }
0xd8: {  	v1 =	vld.idx.msk [tilespmem:v63+s11+$0x0], $0xffff  }
0xd9: {  	v63 =	vor.u32 s20, v46;
	_ =	sdelay $0x3  }
0xda: {  	[tilespmem:s21+$0x1F7D0] =	vst v1  }
0xdb: {  	v1 =	vld.idx.msk [tilespmem:v63+s11+$0x0], $0xffff  }
0xdc: {  	v63 =	vor.u32 s20, v47;
	_ =	sdelay $0x3  }
0xdd: {  	[tilespmem:s21+$0x1F7E0] =	vst v1  }
0xde: {  	v1 =	vld.idx.msk [tilespmem:v63+s11+$0x0], $0xffff  }
0xdf: {  	v63 =	vor.u32 s20, v48;
	_ =	sdelay $0x3  }
0xe0: {  	[tilespmem:s21+$0x1F7F0] =	vst v1  }
0xe1: {  	v1 =	vld.idx.msk [tilespmem:v63+s11+$0x0], $0xffff  }
0xe2: {  	v63 =	vor.u32 s20, v49  }
0xe3: {  	s30 =	sadd.s32 $0x300, s21  }
0xe4: {  	s23 =	sand.u32 $0x780, s30  }
0xe5: {  	s23 =	sor.u32 s24, s23  }
0xe6: {  	[tilespmem:s23+$0x1F500] =	vst v1  }
0xe7: {  	v1 =	vld.idx.msk [tilespmem:v63+s11+$0x0], $0xffff  }
0xe8: {  	v63 =	vor.u32 s20, v50;
	_ =	sdelay $0x3  }
0xe9: {  	[tilespmem:s21+$0x1F810] =	vst v1  }
0xea: {  	v1 =	vld.idx.msk [tilespmem:v63+s11+$0x0], $0xffff  }
0xeb: {  	v63 =	vor.u32 s20, v51;
	_ =	sdelay $0x3  }
0xec: {  	[tilespmem:s21+$0x1F820] =	vst v1  }
0xed: {  	v1 =	vld.idx.msk [tilespmem:v63+s11+$0x0], $0xffff  }
0xee: {  	v63 =	vor.u32 s20, v52;
	_ =	sdelay $0x3  }
0xef: {  	[tilespmem:s21+$0x1F830] =	vst v1  }
0xf0: {  	v1 =	vld.idx.msk [tilespmem:v63+s11+$0x0], $0xffff  }
0xf1: {  	v63 =	vor.u32 s20, v53;
	_ =	sdelay $0x3  }
0xf2: {  	[tilespmem:s21+$0x1F840] =	vst v1  }
0xf3: {  	v1 =	vld.idx.msk [tilespmem:v63+s11+$0x0], $0xffff  }
0xf4: {  	v63 =	vor.u32 s20, v54;
	_ =	sdelay $0x3  }
0xf5: {  	[tilespmem:s21+$0x1F850] =	vst v1  }
0xf6: {  	v1 =	vld.idx.msk [tilespmem:v63+s11+$0x0], $0xffff  }
0xf7: {  	v63 =	vor.u32 s20, v55;
	_ =	sdelay $0x3  }
0xf8: {  	[tilespmem:s21+$0x1F860] =	vst v1  }
0xf9: {  	v1 =	vld.idx.msk [tilespmem:v63+s11+$0x0], $0xffff  }
0xfa: {  	v63 =	vor.u32 s20, v56;
	_ =	sdelay $0x3  }
0xfb: {  	[tilespmem:s21+$0x1F870] =	vst v1  }
0xfc: {  	v1 =	vld.idx.msk [tilespmem:v63+s11+$0x0], $0xffff  }
0xfd: {  	v63 =	vor.u32 s20, v57  }
0xfe: {  	s31 =	sadd.s32 $0x380, s21  }
0xff: {  	s23 =	sand.u32 $0x780, s31  }
0x100: {  	s22 =	sor.u32 s24, s23  }
0x101: {  	[tilespmem:s22+$0x1F500] =	vst v1  }
0x102: {  	v1 =	vld.idx.msk [tilespmem:v63+s11+$0x0], $0xffff  }
0x103: {  	v63 =	vor.u32 s20, v58;
	_ =	sdelay $0x3  }
0x104: {  	[tilespmem:s21+$0x1F890] =	vst v1  }
0x105: {  	v1 =	vld.idx.msk [tilespmem:v63+s11+$0x0], $0xffff  }
0x106: {  	v63 =	vor.u32 s20, v59;
	_ =	sdelay $0x3  }
0x107: {  	[tilespmem:s21+$0x1F8A0] =	vst v1  }
0x108: {  	v1 =	vld.idx.msk [tilespmem:v63+s11+$0x0], $0xffff  }
0x109: {  	v63 =	vor.u32 s20, v60;
	_ =	sdelay $0x3  }
0x10a: {  	[tilespmem:s21+$0x1F8B0] =	vst v1  }
0x10b: {  	v1 =	vld.idx.msk [tilespmem:v63+s11+$0x0], $0xffff  }
0x10c: {  	v63 =	vor.u32 s20, v61;
	_ =	sdelay $0x3  }
0x10d: {  	[tilespmem:s21+$0x1F8C0] =	vst v1  }
0x10e: {  	v1 =	vld.idx.msk [tilespmem:v63+s11+$0x0], $0xffff  }
0x10f: {  	v63 =	vor.u32 s20, v62;
	_ =	sdelay $0x3  }
0x110: {  	[tilespmem:s21+$0x1F8D0] =	vst v1  }
0x111: {  	s19 =	sxor.u32 $0x80000000, s19;
	v1 =	vld.idx.msk [tilespmem:v63+s11+$0x0], $0xffff  }
0x112: {  	s19 =	smul.u32 $0x3E8, s19;
	_ =	sdelay $0x1  }
0x113: {  	s19 =	sshrl.u32 s19, $0x3  }
0x114: {  	s19 =	sadd.s32 s2, s19  }
0x115: {  	p1 =	seq.s32 @!p0 s18, $0x0;
	s20 =	simm.s32 @!p0 $0x0;
	[tilespmem:s21+$0x1F8E0] =	vst v1;
	s21 =	simm.s32 @!p0 $0x1F500  }
0x116: {  	[hbm4b:s19+s20] =	stream.linear.scatter @!p0 [tilespmem:s21], [sflag:$0x1], $0x3E8, $0x38;
	[tilespmem:$0x1FD00] =	vst v63  }
0x117: {  	s16 =	sadd.s32 $0x1, s16;
	p0 =	por p0, !p1  }
0x118: {  	[hbm4b:s19+s3] =	stream.linear.scatter @p0 [tilespmem:s14], [sflag:$0x2], $0x3E8, $0x38;
	[tilespmem:$0x1FD00] =	vst v63  }
0x119: {  	p0 =	sne.s32 s16, $0x80  }
.Ltmp0:
0x11a: {  	_ = 	snop;
	(pc) =	sbr.rel @p0 .LBB2_2-.Ltmp0, $1  }
0x11b: {  	_ =	sdelay $0x3  }
0x11c: {  	s15 =	sadd.s32 $0x1, s15  }
0x11d: {  	_ =	swait.ge [sflag:s12], $0x3E8;
	p0 =	sne.s32 s15, s8  }
.Ltmp1:
0x11e: {  	[sflag:s12] =	ssyncset.done $0x0;
	(pc) =	sbr.rel @p0 .LBB2_1-.Ltmp1, $4  }
0x11f: {  	[sflag:s12] =	ssyncadd.s32 $0xFFFFFC18  }
0x120: {  	_ =	swait.ge [sflag:s13], $0x3E8  }
0x121: {  	[sflag:s13] =	ssyncset.done $0x0  }
0x122: {  	[sflag:s13] =	ssyncadd.s32 $0xFFFFFC18  }
0x123: {  	_ =	sfence.sel $0x180000  }
0x124: {  	[bflag:$0x0] =	sbarrier.arrive $0xFFFF  }
0x125: {  	p0 =	sne.s32 s4, $0x0;
	_ =	strace $0x9000004A  }
0x126: {  	s0 =	sadd.s32 @!p0 $0x100000, s1;
	[bflag:$0x2] =	sbarrier.arrive $0xFFFF  }
0x127: {  	[sflag:s0] =	ssyncadd.tile.s32 @!p0 $0x1;
	_ =	shalt  }
.Lfunc_end2:
_tile_overlayer_lowered:
.L_overlay_start_2:
0x128: {  	(tag) =	ssettag $0x2  }
0x129: {  	s0 =	rddreg [dreg:$0x0];
	s2 =	stileid.u32  }
0x12a: {  	s1 =	rddreg [dreg:$0x1];
	p0 =	sne.s32 s2, $0x0  }
0x12b: {  	s3 =	rddreg [dreg:$0x2];
	[bflag:$0x3] =	sbarrier.arrive $0xFFFF;
	s2 =	simm.s32 @!p0 $0x1C03  }
0x12c: {  	[timem:s3], [sflag:s2] =	dma.local @!p0 [hbm:s0], s1  }
0x12d: {  	s0 =	simm.s32 @!p0 $0x3  }
0x12e: {  	_ =	swait.ge @!p0 [sflag:s0], s1  }
0x12f: {  	s1 =	ssub.s32 @!p0 $0x0, s1;
	[sflag:s0] =	ssyncset.done @!p0 $0x0  }
0x130: {  	[sflag:s0] =	ssyncadd.s32 @!p0 s1  }
0x131: {  	[bflag:$0x3] =	sbarrier.arrive $0xFFFF  }
0x132: {  	_ =	shalt  }

</sc_bundles>
